<compile_context>
chip_gen: v7x
topology: tpu7x:2x2x1
jax: 0.10.2.dev20260603
libtpu: 0.0.44.dev20260713+nightly
codegen_flags: <defaults>
</compile_context>

<pallas_src>
import functools

import jax
import jax.numpy as jnp
from jax import lax
from jax.experimental import pallas as pl
from jax.experimental.pallas import tpu as pltpu
from jax.experimental.pallas import tpu_sc as plsc

_EPS = 1e-5




def _seg_sum_sc(x_pad, src, dst, zeros, n_pad, num_edges):
    num_workers = 32
    tiles = 16
    chunk = 12800
    total_chunks = num_edges // chunk
    q, r = divmod(total_chunks, num_workers)
    all_ch = q + (1 if r else 0)
    all_ch += all_ch % 2
    slice_n = n_pad // tiles

    mesh = plsc.VectorSubcoreMesh(core_axis_name="c", subcore_axis_name="s")

    @functools.partial(
        pl.kernel,
        mesh=mesh,
        out_type=[
            jax.ShapeDtypeStruct((n_pad,), jnp.float32),
            jax.ShapeDtypeStruct((n_pad,), jnp.float32),
        ],
        scratch_types=[
            pltpu.VMEM((chunk,), jnp.int32),
            pltpu.VMEM((chunk,), jnp.int32),
            pltpu.VMEM((chunk,), jnp.int32),
            pltpu.VMEM((chunk,), jnp.int32),
            pltpu.VMEM((chunk,), jnp.float32),
            pltpu.VMEM((chunk,), jnp.float32),
            pltpu.VMEM_SHARED((n_pad,), jnp.float32),
            pltpu.VMEM_SHARED((n_pad,), jnp.float32),
            pltpu.SemaphoreType.DMA,
            pltpu.SemaphoreType.DMA,
            pltpu.SemaphoreType.DMA,
            pltpu.SemaphoreType.DMA,
            pltpu.SemaphoreType.DMA,
            pltpu.SemaphoreType.DMA,
        ],
    )
    def seg_kernel(x_hbm, src_hbm, dst_hbm, z_hbm, p0_hbm, p1_hbm,
                   srcbuf0, srcbuf1, dstbuf0, dstbuf1, valbuf0, valbuf1,
                   x_sh, acc_sh, sem_i0, sem_i1, sem_g0, sem_g1, sem_s0,
                   sem_s1):
        sc = lax.axis_index("c")
        sid = lax.axis_index("s")
        base_n = sid * slice_n
        pltpu.sync_copy(x_hbm.at[pl.ds(base_n, slice_n)],
                        x_sh.at[pl.ds(base_n, slice_n)])
        pltpu.sync_copy(z_hbm.at[pl.ds(base_n, slice_n)],
                        acc_sh.at[pl.ds(base_n, slice_n)])
        plsc.subcore_barrier()

        wid = sc * tiles + sid
        nch = q + jnp.where(wid < r, 1, 0)

        def chunk_off(j):
            joff = jnp.where(j < nch, j, 0)
            return (wid + joff * num_workers) * chunk

        pltpu.sync_copy(z_hbm.at[pl.ds(0, chunk)], valbuf0)
        pltpu.sync_copy(z_hbm.at[pl.ds(0, chunk)], valbuf1)
        pltpu.sync_copy(dst_hbm.at[pl.ds(wid * chunk, chunk)], dstbuf0)
        pltpu.sync_copy(dst_hbm.at[pl.ds(wid * chunk, chunk)], dstbuf1)
        pltpu.async_copy(valbuf0, acc_sh.at[dstbuf0], sem_s0, add=True)
        pltpu.async_copy(valbuf1, acc_sh.at[dstbuf1], sem_s1, add=True)

        def body(k, _):
            j0 = 2 * k
            j1 = 2 * k + 1
            pltpu.make_async_copy(valbuf0, acc_sh.at[dstbuf0], sem_s0).wait()
            off0 = chunk_off(j0)
            ds0 = pltpu.async_copy(src_hbm.at[pl.ds(off0, chunk)], srcbuf0,
                                   sem_i0)
            dd0 = pltpu.async_copy(dst_hbm.at[pl.ds(off0, chunk)], dstbuf0,
                                   sem_i0)
            pltpu.make_async_copy(valbuf1, acc_sh.at[dstbuf1], sem_s1).wait()
            off1 = chunk_off(j1)
            ds1 = pltpu.async_copy(src_hbm.at[pl.ds(off1, chunk)], srcbuf1,
                                   sem_i1)
            dd1 = pltpu.async_copy(dst_hbm.at[pl.ds(off1, chunk)], dstbuf1,
                                   sem_i1)
            ds0.wait()
            dd0.wait()
            g0 = pltpu.async_copy(x_sh.at[srcbuf0], valbuf0, sem_g0)
            ds1.wait()
            dd1.wait()
            g1 = pltpu.async_copy(x_sh.at[srcbuf1], valbuf1, sem_g1)
            g0.wait()

            @pl.when(j0 >= nch)
            def _():
                pltpu.sync_copy(z_hbm.at[pl.ds(0, chunk)], valbuf0)

            pltpu.async_copy(valbuf0, acc_sh.at[dstbuf0], sem_s0, add=True)
            g1.wait()

            @pl.when(j1 >= nch)
            def _():
                pltpu.sync_copy(z_hbm.at[pl.ds(0, chunk)], valbuf1)

            pltpu.async_copy(valbuf1, acc_sh.at[dstbuf1], sem_s1, add=True)
            return _

        lax.fori_loop(0, all_ch // 2, body, None)
        pltpu.make_async_copy(valbuf0, acc_sh.at[dstbuf0], sem_s0).wait()
        pltpu.make_async_copy(valbuf1, acc_sh.at[dstbuf1], sem_s1).wait()
        plsc.subcore_barrier()

        @pl.when(sc == 0)
        def _():
            pltpu.sync_copy(acc_sh.at[pl.ds(base_n, slice_n)],
                            p0_hbm.at[pl.ds(base_n, slice_n)])

        @pl.when(sc == 1)
        def _():
            pltpu.sync_copy(acc_sh.at[pl.ds(base_n, slice_n)],
                            p1_hbm.at[pl.ds(base_n, slice_n)])

    return seg_kernel(x_pad, src, dst, zeros)




def _h0_pass(p0, p1, xw, wrel, brel, wroot, n, n_pad, blk):
    grid = n_pad // blk

    def kern(p0_ref, p1_ref, x_ref, wrel_ref, brel_ref, wroot_ref,
             h0_ref, s_ref, acc_ref):
        pid = pl.program_id(0)

        @pl.when(pid == 0)
        def _():
            acc_ref[...] = jnp.zeros_like(acc_ref)

        wrel_v = wrel_ref[0:1, 0:1]
        wroot_v = wroot_ref[0:1, 0:1]
        brel_v = brel_ref[0:1, 0:1]
        h0 = (p0_ref[...] + p1_ref[...]) * wrel_v + brel_v \
            + x_ref[...] * wroot_v
        h0_ref[...] = h0
        colid = lax.broadcasted_iota(jnp.int32, (1, blk), 1) + pid * blk
        hm = jnp.where(colid < n, h0, 0.0)
        acc_ref[0:1, 0:1] += jnp.sum(hm, axis=1, keepdims=True)
        acc_ref[1:2, 0:1] += jnp.sum(hm * hm, axis=1, keepdims=True)

        @pl.when(pid == grid - 1)
        def _():
            s_ref[...] = acc_ref[...]

    return pl.pallas_call(
        kern,
        grid=(grid,),
        in_specs=[
            pl.BlockSpec((1, blk), lambda i: (0, i)),
            pl.BlockSpec((1, blk), lambda i: (0, i)),
            pl.BlockSpec((1, blk), lambda i: (0, i)),
            pl.BlockSpec((1, 1), lambda i: (0, 0)),
            pl.BlockSpec((1, 1), lambda i: (0, 0)),
            pl.BlockSpec((1, 1), lambda i: (0, 0)),
        ],
        out_specs=[
            pl.BlockSpec((1, blk), lambda i: (0, i)),
            pl.BlockSpec((2, 1), lambda i: (0, 0)),
        ],
        out_shape=[
            jax.ShapeDtypeStruct((1, n_pad), jnp.float32),
            jax.ShapeDtypeStruct((2, 1), jnp.float32),
        ],
        scratch_shapes=[pltpu.VMEM((2, 1), jnp.float32)],
    )(p0.reshape(1, n_pad), p1.reshape(1, n_pad), xw, wrel,
      brel.reshape(1, 1), wroot)


def _layer2_pass(h0w, s0, w_in_col, g_col, be_col, w1t, b1_col,
                 n, n_pad, h, blk):
    grid = n_pad // blk
    extra = float(n_pad - n)

    def kern(h0_ref, s0_ref, win_ref, g_ref, be_ref, w_ref, b_ref,
             y_ref, s_ref, acc_ref):
        pid = pl.program_id(0)

        @pl.when(pid == 0)
        def _():
            acc_ref[...] = jnp.zeros_like(acc_ref)

        mu0 = s0_ref[0:1, 0:1] / n
        var0 = s0_ref[1:2, 0:1] / n - mu0 * mu0
        win = win_ref[...]
        c = win * g_ref[...] * lax.rsqrt(var0 * win * win + _EPS)
        u = h0_ref[...] - mu0
        a = jnp.maximum(c * u + be_ref[...], 0.0)
        colid = lax.broadcasted_iota(jnp.int32, (1, blk), 1) + pid * blk
        a = jnp.where(colid < n, a, 0.0)
        y = jnp.dot(w_ref[...], a, preferred_element_type=jnp.float32) \
            + b_ref[...]
        y_ref[...] = y
        acc_ref[:, 0:1] += jnp.sum(y, axis=1, keepdims=True)
        acc_ref[:, 1:2] += jnp.sum(y * y, axis=1, keepdims=True)

        @pl.when(pid == grid - 1)
        def _():
            b = b_ref[...]
            s_ref[...] = acc_ref[...] - jnp.concatenate(
                [b, b * b], axis=1) * extra

    return pl.pallas_call(
        kern,
        grid=(grid,),
        in_specs=[
            pl.BlockSpec((1, blk), lambda i: (0, i)),
            pl.BlockSpec((2, 1), lambda i: (0, 0)),
            pl.BlockSpec((h, 1), lambda i: (0, 0)),
            pl.BlockSpec((h, 1), lambda i: (0, 0)),
            pl.BlockSpec((h, 1), lambda i: (0, 0)),
            pl.BlockSpec((h, h), lambda i: (0, 0)),
            pl.BlockSpec((h, 1), lambda i: (0, 0)),
        ],
        out_specs=[
            pl.BlockSpec((h, blk), lambda i: (0, i)),
            pl.BlockSpec((h, 2), lambda i: (0, 0)),
        ],
        out_shape=[
            jax.ShapeDtypeStruct((h, n_pad), jnp.float32),
            jax.ShapeDtypeStruct((h, 2), jnp.float32),
        ],
        scratch_shapes=[pltpu.VMEM((h, 2), jnp.float32)],
    )(h0w, s0, w_in_col, g_col, be_col, w1t, b1_col)


def _hidden_pass(y_in, s_in, g_col, be_col, wt, b_col, n, n_pad, h, blk):
    grid = n_pad // blk
    extra = float(n_pad - n)

    def kern(y_in_ref, s_in_ref, g_ref, be_ref, w_ref, b_ref,
             y_ref, s_ref, acc_ref):
        pid = pl.program_id(0)

        @pl.when(pid == 0)
        def _():
            acc_ref[...] = jnp.zeros_like(acc_ref)

        mean = s_in_ref[:, 0:1] / n
        var = s_in_ref[:, 1:2] / n - mean * mean
        scale = lax.rsqrt(var + _EPS) * g_ref[...]
        a = jnp.maximum((y_in_ref[...] - mean) * scale + be_ref[...], 0.0)
        colid = lax.broadcasted_iota(jnp.int32, (1, blk), 1) + pid * blk
        a = jnp.where(colid < n, a, 0.0)
        y = jnp.dot(w_ref[...], a, preferred_element_type=jnp.float32) \
            + b_ref[...]
        y_ref[...] = y
        acc_ref[:, 0:1] += jnp.sum(y, axis=1, keepdims=True)
        acc_ref[:, 1:2] += jnp.sum(y * y, axis=1, keepdims=True)

        @pl.when(pid == grid - 1)
        def _():
            b2 = b_ref[...]
            s_ref[...] = acc_ref[...] - jnp.concatenate(
                [b2, b2 * b2], axis=1) * extra

    return pl.pallas_call(
        kern,
        grid=(grid,),
        in_specs=[
            pl.BlockSpec((h, blk), lambda i: (0, i)),
            pl.BlockSpec((h, 2), lambda i: (0, 0)),
            pl.BlockSpec((h, 1), lambda i: (0, 0)),
            pl.BlockSpec((h, 1), lambda i: (0, 0)),
            pl.BlockSpec((h, h), lambda i: (0, 0)),
            pl.BlockSpec((h, 1), lambda i: (0, 0)),
        ],
        out_specs=[
            pl.BlockSpec((h, blk), lambda i: (0, i)),
            pl.BlockSpec((h, 2), lambda i: (0, 0)),
        ],
        out_shape=[
            jax.ShapeDtypeStruct((h, n_pad), jnp.float32),
            jax.ShapeDtypeStruct((h, 2), jnp.float32),
        ],
        scratch_shapes=[pltpu.VMEM((h, 2), jnp.float32)],
    )(y_in, s_in, g_col, be_col, wt, b_col)


def _final_pass(y_in, s_in, g_col, be_col, w_out_row, b_out, n, n_pad, h,
                blk):
    grid = n_pad // blk

    def kern(y_in_ref, s_in_ref, g_ref, be_ref, w_ref, b_ref, o_ref):
        mean = s_in_ref[:, 0:1] / n
        var = s_in_ref[:, 1:2] / n - mean * mean
        scale = lax.rsqrt(var + _EPS) * g_ref[...]
        a = jnp.maximum((y_in_ref[...] - mean) * scale + be_ref[...], 0.0)
        z = jnp.dot(w_ref[...], a, preferred_element_type=jnp.float32) \
            + b_ref[0:1, 0:1]
        o_ref[...] = jax.nn.sigmoid(z)

    return pl.pallas_call(
        kern,
        grid=(grid,),
        in_specs=[
            pl.BlockSpec((h, blk), lambda i: (0, i)),
            pl.BlockSpec((h, 2), lambda i: (0, 0)),
            pl.BlockSpec((h, 1), lambda i: (0, 0)),
            pl.BlockSpec((h, 1), lambda i: (0, 0)),
            pl.BlockSpec((1, h), lambda i: (0, 0)),
            pl.BlockSpec((1, 1), lambda i: (0, 0)),
        ],
        out_specs=pl.BlockSpec((1, blk), lambda i: (0, i)),
        out_shape=jax.ShapeDtypeStruct((1, n_pad), jnp.float32),
    )(y_in, s_in, g_col, be_col, w_out_row, b_out)


def kernel(x, edge_index, Wrel, brel, Wroot, W_in, b_in, g_in, be_in,
           W_hid, b_hid, g_hid, be_hid, W_out, b_out):
    n = x.shape[0]
    num_edges = edge_index.shape[1]
    h = W_in.shape[1]
    blk = 4096
    n_pad = ((n + blk - 1) // blk) * blk

    xf = x[:, 0]
    x_pad = jnp.pad(xf, (0, n_pad - n))
    zeros = jnp.zeros((n_pad,), jnp.float32)
    src = jnp.reshape(edge_index[0], (num_edges,))
    dst = jnp.reshape(edge_index[1], (num_edges,))
    p0, p1 = _seg_sum_sc(x_pad, src, dst, zeros, n_pad, num_edges)

    xw = x_pad.reshape(1, n_pad)
    h0w, s0 = _h0_pass(p0, p1, xw, Wrel, brel, Wroot, n, n_pad,
                       n_pad // 8)
    y, s = _layer2_pass(h0w, s0, W_in.reshape(h, 1), g_in.reshape(h, 1),
                        be_in.reshape(h, 1), W_hid[0].T,
                        b_hid[0].reshape(h, 1), n, n_pad, h, blk)
    for i in range(1, 6):
        y, s = _hidden_pass(y, s, g_hid[i - 1].reshape(h, 1),
                            be_hid[i - 1].reshape(h, 1), W_hid[i].T,
                            b_hid[i].reshape(h, 1), n, n_pad, h, blk)
    outw = _final_pass(y, s, g_hid[5].reshape(h, 1),
                       be_hid[5].reshape(h, 1), W_out.reshape(1, h),
                       b_out.reshape(1, 1), n, n_pad, h, blk)
    return outw[0, :n].reshape(n, 1)

# --- scband reference (transcript-rebuilt; emitter-appended) ---
"""Pipeline reference for scband-graph-conv-net-85186381349438 (READ-ONLY COPY).

The authoritative reference and input builder live on the scoring server;
editing this copy changes nothing except your own understanding.
"""

import jax, jax.numpy as jnp
import numpy as np

N = 100000
E = 6400000
H = 200


def _bn(h, g, b, eps=1e-5):
    mu = h.mean(axis=0)
    var = h.var(axis=0)
    return (h - mu) / jnp.sqrt(var + eps) * g + b


def setup_inputs(seed: int = 0) -> dict:
    key = jax.random.key(seed)
    ks = jax.random.split(key, 16)
    x = jax.random.normal(ks[0], (N, 1), dtype=jnp.float32)
    edge_index = jax.random.randint(ks[1], (2, E), 0, N)
    # GraphConv(1, 1): lin_rel (with bias) applied to aggregated neighbors, lin_root (no bias) to self
    Wrel = jax.random.normal(ks[2], (1, 1), dtype=jnp.float32) * 0.5
    brel = jnp.zeros((1,), dtype=jnp.float32)
    Wroot = jax.random.normal(ks[3], (1, 1), dtype=jnp.float32) * 0.5
    # MLP(1, 200, 1, num_layers=8): Linear(1,200) + 6x Linear(200,200) + Linear(200,1),
    # batch_norm + relu after every layer except the last (plain_last=True)
    W_in = jax.random.normal(ks[4], (1, H), dtype=jnp.float32) * 0.5
    b_in = jnp.zeros((H,), dtype=jnp.float32)
    g_in = jnp.ones((H,), dtype=jnp.float32)
    be_in = jnp.zeros((H,), dtype=jnp.float32)
    W_hid = jax.random.normal(ks[5], (6, H, H), dtype=jnp.float32) * (1.0 / np.sqrt(H))
    b_hid = jnp.zeros((6, H), dtype=jnp.float32)
    g_hid = jnp.ones((6, H), dtype=jnp.float32)
    be_hid = jnp.zeros((6, H), dtype=jnp.float32)
    W_out = jax.random.normal(ks[6], (H, 1), dtype=jnp.float32) * (1.0 / np.sqrt(H))
    b_out = jnp.zeros((1,), dtype=jnp.float32)
    return {
        "x": x, "edge_index": edge_index,
        "Wrel": Wrel, "brel": brel, "Wroot": Wroot,
        "W_in": W_in, "b_in": b_in, "g_in": g_in, "be_in": be_in,
        "W_hid": W_hid, "b_hid": b_hid, "g_hid": g_hid, "be_hid": be_hid,
        "W_out": W_out, "b_out": b_out,
    }


def reference(x, edge_index, Wrel, brel, Wroot, W_in, b_in, g_in, be_in, W_hid, b_hid, g_hid, be_hid, W_out, b_out):
    src = edge_index[0]
    dst = edge_index[1]
    # GraphConv with sum aggregation: out = lin_rel(sum_{j in N(i)} x_j) + lin_root(x_i)
    agg = jax.ops.segment_sum(x[src], dst, num_segments=N)
    h = agg @ Wrel + brel + x @ Wroot
    # MLP with batch norm (training-mode stats) + relu, plain last layer
    h = jax.nn.relu(_bn(h @ W_in + b_in, g_in, be_in))
    for i in range(6):
        h = jax.nn.relu(_bn(h @ W_hid[i] + b_hid[i], g_hid[i], be_hid[i]))
    h = h @ W_out + b_out
    return jax.nn.sigmoid(h)

if __name__ == "__main__":
    import jax
    _d = setup_inputs()
    print(jax.jit(kernel)(*tuple(_d.values())))

</pallas_src>

<mosaic_0001>
#map = affine_map<(d0, d1) -> (0)>
module attributes {stable_mosaic.version = 14 : i64} {
  func.func @seg_kernel(%arg0: i32, %arg1: i32, %arg2: memref<102400xf32, #tpu.memory_space<hbm>>, %arg3: memref<6400000xi32, #tpu.memory_space<hbm>>, %arg4: memref<6400000xi32, #tpu.memory_space<hbm>>, %arg5: memref<102400xf32, #tpu.memory_space<hbm>>, %arg6: memref<102400xf32, #tpu.memory_space<hbm>>, %arg7: memref<102400xf32, #tpu.memory_space<hbm>>, %arg8: memref<12800xi32, #tpu.memory_space<vmem>>, %arg9: memref<12800xi32, #tpu.memory_space<vmem>>, %arg10: memref<12800xi32, #tpu.memory_space<vmem>>, %arg11: memref<12800xi32, #tpu.memory_space<vmem>>, %arg12: memref<12800xf32, #tpu.memory_space<vmem>>, %arg13: memref<12800xf32, #tpu.memory_space<vmem>>, %arg14: memref<102400xf32, #tpu.memory_space<vmem_shared>>, %arg15: memref<102400xf32, #tpu.memory_space<vmem_shared>>, %arg16: memref<!tpu.dma_semaphore, #tpu.memory_space<semaphore_mem>>, %arg17: memref<!tpu.dma_semaphore, #tpu.memory_space<semaphore_mem>>, %arg18: memref<!tpu.dma_semaphore, #tpu.memory_space<semaphore_mem>>, %arg19: memref<!tpu.dma_semaphore, #tpu.memory_space<semaphore_mem>>, %arg20: memref<!tpu.dma_semaphore, #tpu.memory_space<semaphore_mem>>, %arg21: memref<!tpu.dma_semaphore, #tpu.memory_space<semaphore_mem>>) attributes {dimension_semantics = [#tpu.dimension_semantics<core_parallel>, #tpu.dimension_semantics<subcore_parallel>], iteration_bounds = array<i64: 2, 16>, scalar_prefetch = 0 : i64, scratch_operands = 14 : i64, tpu.core_type = #tpu.core_type<sc_vector_subcore>, window_params = [{transform_indices = #map}, {transform_indices = #map}, {transform_indices = #map}, {transform_indices = #map}, {transform_indices = #map}, {transform_indices = #map}]} {
    %mul3A = arith.constant 6400 : i32
    %mul3A_0 = arith.muli %arg1, %mul3A : i32
    "tpu.region"() ({
      %run_scoped3A = tpu.sem_alloc : memref<!tpu.dma_semaphore, #tpu.memory_space<semaphore_mem>>
      %dma_start3A_29 = tpu.memref_slice %arg14[%mul3A_0] : memref<102400xf32, #tpu.memory_space<vmem_shared>> -> memref<6400xf32, #tpu.memory_space<vmem_shared>>
      %dma_start3A_30 = tpu.memref_slice %arg2[%mul3A_0] : memref<102400xf32, #tpu.memory_space<hbm>> -> memref<6400xf32, #tpu.memory_space<hbm>>
      tpu.enqueue_dma source(%dma_start3A_30 : memref<6400xf32, #tpu.memory_space<hbm>>) target(%dma_start3A_29 : memref<6400xf32, #tpu.memory_space<vmem_shared>>) target_semaphore(%run_scoped3A : memref<!tpu.dma_semaphore, #tpu.memory_space<semaphore_mem>>)
      %dma_wait3A_31 = tpu.memref_slice %arg14[%mul3A_0] : memref<102400xf32, #tpu.memory_space<vmem_shared>> -> memref<6400xf32, #tpu.memory_space<vmem_shared>>
      %dma_wait3A_32 = tpu.memref_slice %arg2[%mul3A_0] : memref<102400xf32, #tpu.memory_space<hbm>> -> memref<6400xf32, #tpu.memory_space<hbm>>
      tpu.wait_dma2 semaphore(%run_scoped3A : memref<!tpu.dma_semaphore, #tpu.memory_space<semaphore_mem>>) src(%dma_wait3A_32 : memref<6400xf32, #tpu.memory_space<hbm>>) dst(%dma_wait3A_31 : memref<6400xf32, #tpu.memory_space<vmem_shared>>)
      tpu.yield
    }) : () -> ()
    "tpu.region"() ({
      %run_scoped3A = tpu.sem_alloc : memref<!tpu.dma_semaphore, #tpu.memory_space<semaphore_mem>>
      %dma_start3A_29 = tpu.memref_slice %arg15[%mul3A_0] : memref<102400xf32, #tpu.memory_space<vmem_shared>> -> memref<6400xf32, #tpu.memory_space<vmem_shared>>
      %dma_start3A_30 = tpu.memref_slice %arg5[%mul3A_0] : memref<102400xf32, #tpu.memory_space<hbm>> -> memref<6400xf32, #tpu.memory_space<hbm>>
      tpu.enqueue_dma source(%dma_start3A_30 : memref<6400xf32, #tpu.memory_space<hbm>>) target(%dma_start3A_29 : memref<6400xf32, #tpu.memory_space<vmem_shared>>) target_semaphore(%run_scoped3A : memref<!tpu.dma_semaphore, #tpu.memory_space<semaphore_mem>>)
      %dma_wait3A_31 = tpu.memref_slice %arg15[%mul3A_0] : memref<102400xf32, #tpu.memory_space<vmem_shared>> -> memref<6400xf32, #tpu.memory_space<vmem_shared>>
      %dma_wait3A_32 = tpu.memref_slice %arg5[%mul3A_0] : memref<102400xf32, #tpu.memory_space<hbm>> -> memref<6400xf32, #tpu.memory_space<hbm>>
      tpu.wait_dma2 semaphore(%run_scoped3A : memref<!tpu.dma_semaphore, #tpu.memory_space<semaphore_mem>>) src(%dma_wait3A_32 : memref<6400xf32, #tpu.memory_space<hbm>>) dst(%dma_wait3A_31 : memref<6400xf32, #tpu.memory_space<vmem_shared>>)
      tpu.yield
    }) : () -> ()
    %barrier3A = arith.constant 0 : index
    tpu.barrier barrier_id(%barrier3A)
    %mul3A_1 = arith.constant 16 : i32
    %mul3A_2 = arith.muli %arg0, %mul3A_1 : i32
    %add3A = arith.addi %mul3A_2, %arg1 : i32
    %lt3A = arith.constant 20 : i32
    %lt3A_3 = arith.cmpi slt, %add3A, %lt3A : i32
    %jit3A = arith.constant 1 : i32
    %jit3A_4 = arith.constant 0 : i32
    %select_n3A = arith.select %lt3A_3, %jit3A, %jit3A_4 : i32
    %add3A_5 = arith.constant 15 : i32
    %add3A_6 = arith.addi %add3A_5, %select_n3A : i32
    "tpu.region"() ({
      %run_scoped3A = tpu.sem_alloc : memref<!tpu.dma_semaphore, #tpu.memory_space<semaphore_mem>>
      %dma_start3A_29 = arith.constant 0 : i32
      %dma_start3A_30 = tpu.memref_slice %arg5[%dma_start3A_29] : memref<102400xf32, #tpu.memory_space<hbm>> -> memref<12800xf32, #tpu.memory_space<hbm>>
      %dma_start3A_31 = arith.constant 0 : i32
      %dma_start3A_32 = tpu.memref_slice %arg5[%dma_start3A_31] : memref<102400xf32, #tpu.memory_space<hbm>> -> memref<12800xf32, #tpu.memory_space<hbm>>
      tpu.enqueue_dma source(%dma_start3A_32 : memref<12800xf32, #tpu.memory_space<hbm>>) target(%arg12 : memref<12800xf32, #tpu.memory_space<vmem>>) target_semaphore(%run_scoped3A : memref<!tpu.dma_semaphore, #tpu.memory_space<semaphore_mem>>)
      %dma_wait3A_33 = arith.constant 0 : i32
      %dma_wait3A_34 = tpu.memref_slice %arg5[%dma_wait3A_33] : memref<102400xf32, #tpu.memory_space<hbm>> -> memref<12800xf32, #tpu.memory_space<hbm>>
      %dma_wait3A_35 = arith.constant 0 : i32
      %dma_wait3A_36 = tpu.memref_slice %arg5[%dma_wait3A_35] : memref<102400xf32, #tpu.memory_space<hbm>> -> memref<12800xf32, #tpu.memory_space<hbm>>
      tpu.wait_dma2 semaphore(%run_scoped3A : memref<!tpu.dma_semaphore, #tpu.memory_space<semaphore_mem>>) src(%dma_wait3A_36 : memref<12800xf32, #tpu.memory_space<hbm>>) dst(%arg12 : memref<12800xf32, #tpu.memory_space<vmem>>)
      tpu.yield
    }) : () -> ()
    "tpu.region"() ({
      %run_scoped3A = tpu.sem_alloc : memref<!tpu.dma_semaphore, #tpu.memory_space<semaphore_mem>>
      %dma_start3A_29 = arith.constant 0 : i32
      %dma_start3A_30 = tpu.memref_slice %arg5[%dma_start3A_29] : memref<102400xf32, #tpu.memory_space<hbm>> -> memref<12800xf32, #tpu.memory_space<hbm>>
      %dma_start3A_31 = arith.constant 0 : i32
      %dma_start3A_32 = tpu.memref_slice %arg5[%dma_start3A_31] : memref<102400xf32, #tpu.memory_space<hbm>> -> memref<12800xf32, #tpu.memory_space<hbm>>
      tpu.enqueue_dma source(%dma_start3A_32 : memref<12800xf32, #tpu.memory_space<hbm>>) target(%arg13 : memref<12800xf32, #tpu.memory_space<vmem>>) target_semaphore(%run_scoped3A : memref<!tpu.dma_semaphore, #tpu.memory_space<semaphore_mem>>)
      %dma_wait3A_33 = arith.constant 0 : i32
      %dma_wait3A_34 = tpu.memref_slice %arg5[%dma_wait3A_33] : memref<102400xf32, #tpu.memory_space<hbm>> -> memref<12800xf32, #tpu.memory_space<hbm>>
      %dma_wait3A_35 = arith.constant 0 : i32
      %dma_wait3A_36 = tpu.memref_slice %arg5[%dma_wait3A_35] : memref<102400xf32, #tpu.memory_space<hbm>> -> memref<12800xf32, #tpu.memory_space<hbm>>
      tpu.wait_dma2 semaphore(%run_scoped3A : memref<!tpu.dma_semaphore, #tpu.memory_space<semaphore_mem>>) src(%dma_wait3A_36 : memref<12800xf32, #tpu.memory_space<hbm>>) dst(%arg13 : memref<12800xf32, #tpu.memory_space<vmem>>)
      tpu.yield
    }) : () -> ()
    %mul3A_7 = arith.constant 12800 : i32
    %mul3A_8 = arith.muli %add3A, %mul3A_7 : i32
    "tpu.region"() ({
      %run_scoped3A = tpu.sem_alloc : memref<!tpu.dma_semaphore, #tpu.memory_space<semaphore_mem>>
      %dma_start3A_29 = tpu.memref_slice %arg4[%mul3A_8] : memref<6400000xi32, #tpu.memory_space<hbm>> -> memref<12800xi32, #tpu.memory_space<hbm>>
      %dma_start3A_30 = tpu.memref_slice %arg4[%mul3A_8] : memref<6400000xi32, #tpu.memory_space<hbm>> -> memref<12800xi32, #tpu.memory_space<hbm>>
      tpu.enqueue_dma source(%dma_start3A_30 : memref<12800xi32, #tpu.memory_space<hbm>>) target(%arg10 : memref<12800xi32, #tpu.memory_space<vmem>>) target_semaphore(%run_scoped3A : memref<!tpu.dma_semaphore, #tpu.memory_space<semaphore_mem>>)
      %dma_wait3A_31 = tpu.memref_slice %arg4[%mul3A_8] : memref<6400000xi32, #tpu.memory_space<hbm>> -> memref<12800xi32, #tpu.memory_space<hbm>>
      %dma_wait3A_32 = tpu.memref_slice %arg4[%mul3A_8] : memref<6400000xi32, #tpu.memory_space<hbm>> -> memref<12800xi32, #tpu.memory_space<hbm>>
      tpu.wait_dma2 semaphore(%run_scoped3A : memref<!tpu.dma_semaphore, #tpu.memory_space<semaphore_mem>>) src(%dma_wait3A_32 : memref<12800xi32, #tpu.memory_space<hbm>>) dst(%arg10 : memref<12800xi32, #tpu.memory_space<vmem>>)
      tpu.yield
    }) : () -> ()
    %mul3A_9 = arith.constant 12800 : i32
    %mul3A_10 = arith.muli %add3A, %mul3A_9 : i32
    "tpu.region"() ({
      %run_scoped3A = tpu.sem_alloc : memref<!tpu.dma_semaphore, #tpu.memory_space<semaphore_mem>>
      %dma_start3A_29 = tpu.memref_slice %arg4[%mul3A_10] : memref<6400000xi32, #tpu.memory_space<hbm>> -> memref<12800xi32, #tpu.memory_space<hbm>>
      %dma_start3A_30 = tpu.memref_slice %arg4[%mul3A_10] : memref<6400000xi32, #tpu.memory_space<hbm>> -> memref<12800xi32, #tpu.memory_space<hbm>>
      tpu.enqueue_dma source(%dma_start3A_30 : memref<12800xi32, #tpu.memory_space<hbm>>) target(%arg11 : memref<12800xi32, #tpu.memory_space<vmem>>) target_semaphore(%run_scoped3A : memref<!tpu.dma_semaphore, #tpu.memory_space<semaphore_mem>>)
      %dma_wait3A_31 = tpu.memref_slice %arg4[%mul3A_10] : memref<6400000xi32, #tpu.memory_space<hbm>> -> memref<12800xi32, #tpu.memory_space<hbm>>
      %dma_wait3A_32 = tpu.memref_slice %arg4[%mul3A_10] : memref<6400000xi32, #tpu.memory_space<hbm>> -> memref<12800xi32, #tpu.memory_space<hbm>>
      tpu.wait_dma2 semaphore(%run_scoped3A : memref<!tpu.dma_semaphore, #tpu.memory_space<semaphore_mem>>) src(%dma_wait3A_32 : memref<12800xi32, #tpu.memory_space<hbm>>) dst(%arg11 : memref<12800xi32, #tpu.memory_space<vmem>>)
      tpu.yield
    }) : () -> ()
    %dma_start3A = arith.constant 0 : i32
    %dma_start3A_11 = tpu.memref_slice %arg15[%dma_start3A] : memref<102400xf32, #tpu.memory_space<vmem_shared>> -> memref<102400xf32, #tpu.memory_space<vmem_shared>>
    tpu.enqueue_indirect_dma source(%arg12 : memref<12800xf32, #tpu.memory_space<vmem>>) target(%dma_start3A_11 : memref<102400xf32, #tpu.memory_space<vmem_shared>>) offsets(%arg10 : memref<12800xi32, #tpu.memory_space<vmem>>) semaphore(%arg20 : memref<!tpu.dma_semaphore, #tpu.memory_space<semaphore_mem>>) {add = true}
    %dma_start3A_12 = arith.constant 0 : i32
    %dma_start3A_13 = tpu.memref_slice %arg15[%dma_start3A_12] : memref<102400xf32, #tpu.memory_space<vmem_shared>> -> memref<102400xf32, #tpu.memory_space<vmem_shared>>
    tpu.enqueue_indirect_dma source(%arg13 : memref<12800xf32, #tpu.memory_space<vmem>>) target(%dma_start3A_13 : memref<102400xf32, #tpu.memory_space<vmem_shared>>) offsets(%arg11 : memref<12800xi32, #tpu.memory_space<vmem>>) semaphore(%arg21 : memref<!tpu.dma_semaphore, #tpu.memory_space<semaphore_mem>>) {add = true}
    %scan3A = arith.constant 0 : i32
    %scan3A_14 = arith.constant 8 : i32
    %scan3A_15 = arith.addi %scan3A, %scan3A_14 : i32
    %scan3A_16 = arith.constant 1 : i32
    scf.for %scan3A_29 = %scan3A to %scan3A_15 step %scan3A_16  : i32 {
      %mul3A_30 = arith.constant 2 : i32
      %mul3A_31 = arith.muli %mul3A_30, %scan3A_29 : i32
      %mul3A_32 = arith.constant 2 : i32
      %mul3A_33 = arith.muli %mul3A_32, %scan3A_29 : i32
      %add3A_34 = arith.constant 1 : i32
      %add3A_35 = arith.addi %mul3A_33, %add3A_34 : i32
      %dma_wait3A_36 = arith.constant 0 : i32
      %dma_wait3A_37 = tpu.memref_slice %arg15[%dma_wait3A_36] : memref<102400xf32, #tpu.memory_space<vmem_shared>> -> memref<102400xf32, #tpu.memory_space<vmem_shared>>
      tpu.wait_indirect_dma semaphore(%arg20 : memref<!tpu.dma_semaphore, #tpu.memory_space<semaphore_mem>>) src(%arg12 : memref<12800xf32, #tpu.memory_space<vmem>>) dst(%dma_wait3A_37 : memref<102400xf32, #tpu.memory_space<vmem_shared>>)
      %lt3A_38 = arith.cmpi slt, %mul3A_31, %add3A_6 : i32
      %jit3A_39 = arith.constant 0 : i32
      %select_n3A_40 = arith.select %lt3A_38, %mul3A_31, %jit3A_39 : i32
      %mul3A_41 = arith.constant 32 : i32
      %mul3A_42 = arith.muli %select_n3A_40, %mul3A_41 : i32
      %add3A_43 = arith.addi %add3A, %mul3A_42 : i32
      %mul3A_44 = arith.constant 12800 : i32
      %mul3A_45 = arith.muli %add3A_43, %mul3A_44 : i32
      %dma_start3A_46 = tpu.memref_slice %arg3[%mul3A_45] : memref<6400000xi32, #tpu.memory_space<hbm>> -> memref<12800xi32, #tpu.memory_space<hbm>>
      %dma_start3A_47 = tpu.memref_slice %arg3[%mul3A_45] : memref<6400000xi32, #tpu.memory_space<hbm>> -> memref<12800xi32, #tpu.memory_space<hbm>>
      tpu.enqueue_dma source(%dma_start3A_47 : memref<12800xi32, #tpu.memory_space<hbm>>) target(%arg8 : memref<12800xi32, #tpu.memory_space<vmem>>) target_semaphore(%arg16 : memref<!tpu.dma_semaphore, #tpu.memory_space<semaphore_mem>>)
      %dma_start3A_48 = tpu.memref_slice %arg4[%mul3A_45] : memref<6400000xi32, #tpu.memory_space<hbm>> -> memref<12800xi32, #tpu.memory_space<hbm>>
      %dma_start3A_49 = tpu.memref_slice %arg4[%mul3A_45] : memref<6400000xi32, #tpu.memory_space<hbm>> -> memref<12800xi32, #tpu.memory_space<hbm>>
      tpu.enqueue_dma source(%dma_start3A_49 : memref<12800xi32, #tpu.memory_space<hbm>>) target(%arg10 : memref<12800xi32, #tpu.memory_space<vmem>>) target_semaphore(%arg16 : memref<!tpu.dma_semaphore, #tpu.memory_space<semaphore_mem>>)
      %dma_wait3A_50 = arith.constant 0 : i32
      %dma_wait3A_51 = tpu.memref_slice %arg15[%dma_wait3A_50] : memref<102400xf32, #tpu.memory_space<vmem_shared>> -> memref<102400xf32, #tpu.memory_space<vmem_shared>>
      tpu.wait_indirect_dma semaphore(%arg21 : memref<!tpu.dma_semaphore, #tpu.memory_space<semaphore_mem>>) src(%arg13 : memref<12800xf32, #tpu.memory_space<vmem>>) dst(%dma_wait3A_51 : memref<102400xf32, #tpu.memory_space<vmem_shared>>)
      %lt3A_52 = arith.cmpi slt, %add3A_35, %add3A_6 : i32
      %jit3A_53 = arith.constant 0 : i32
      %select_n3A_54 = arith.select %lt3A_52, %add3A_35, %jit3A_53 : i32
      %mul3A_55 = arith.constant 32 : i32
      %mul3A_56 = arith.muli %select_n3A_54, %mul3A_55 : i32
      %add3A_57 = arith.addi %add3A, %mul3A_56 : i32
      %mul3A_58 = arith.constant 12800 : i32
      %mul3A_59 = arith.muli %add3A_57, %mul3A_58 : i32
      %dma_start3A_60 = tpu.memref_slice %arg3[%mul3A_59] : memref<6400000xi32, #tpu.memory_space<hbm>> -> memref<12800xi32, #tpu.memory_space<hbm>>
      %dma_start3A_61 = tpu.memref_slice %arg3[%mul3A_59] : memref<6400000xi32, #tpu.memory_space<hbm>> -> memref<12800xi32, #tpu.memory_space<hbm>>
      tpu.enqueue_dma source(%dma_start3A_61 : memref<12800xi32, #tpu.memory_space<hbm>>) target(%arg9 : memref<12800xi32, #tpu.memory_space<vmem>>) target_semaphore(%arg17 : memref<!tpu.dma_semaphore, #tpu.memory_space<semaphore_mem>>)
      %dma_start3A_62 = tpu.memref_slice %arg4[%mul3A_59] : memref<6400000xi32, #tpu.memory_space<hbm>> -> memref<12800xi32, #tpu.memory_space<hbm>>
      %dma_start3A_63 = tpu.memref_slice %arg4[%mul3A_59] : memref<6400000xi32, #tpu.memory_space<hbm>> -> memref<12800xi32, #tpu.memory_space<hbm>>
      tpu.enqueue_dma source(%dma_start3A_63 : memref<12800xi32, #tpu.memory_space<hbm>>) target(%arg11 : memref<12800xi32, #tpu.memory_space<vmem>>) target_semaphore(%arg17 : memref<!tpu.dma_semaphore, #tpu.memory_space<semaphore_mem>>)
      %dma_wait3A_64 = tpu.memref_slice %arg3[%mul3A_45] : memref<6400000xi32, #tpu.memory_space<hbm>> -> memref<12800xi32, #tpu.memory_space<hbm>>
      %dma_wait3A_65 = tpu.memref_slice %arg3[%mul3A_45] : memref<6400000xi32, #tpu.memory_space<hbm>> -> memref<12800xi32, #tpu.memory_space<hbm>>
      tpu.wait_dma2 semaphore(%arg16 : memref<!tpu.dma_semaphore, #tpu.memory_space<semaphore_mem>>) src(%dma_wait3A_65 : memref<12800xi32, #tpu.memory_space<hbm>>) dst(%arg8 : memref<12800xi32, #tpu.memory_space<vmem>>)
      %dma_wait3A_66 = tpu.memref_slice %arg4[%mul3A_45] : memref<6400000xi32, #tpu.memory_space<hbm>> -> memref<12800xi32, #tpu.memory_space<hbm>>
      %dma_wait3A_67 = tpu.memref_slice %arg4[%mul3A_45] : memref<6400000xi32, #tpu.memory_space<hbm>> -> memref<12800xi32, #tpu.memory_space<hbm>>
      tpu.wait_dma2 semaphore(%arg16 : memref<!tpu.dma_semaphore, #tpu.memory_space<semaphore_mem>>) src(%dma_wait3A_67 : memref<12800xi32, #tpu.memory_space<hbm>>) dst(%arg10 : memref<12800xi32, #tpu.memory_space<vmem>>)
      %dma_start3A_68 = arith.constant 0 : i32
      %dma_start3A_69 = tpu.memref_slice %arg14[%dma_start3A_68] : memref<102400xf32, #tpu.memory_space<vmem_shared>> -> memref<102400xf32, #tpu.memory_space<vmem_shared>>
      tpu.enqueue_indirect_dma source(%dma_start3A_69 : memref<102400xf32, #tpu.memory_space<vmem_shared>>) target(%arg12 : memref<12800xf32, #tpu.memory_space<vmem>>) offsets(%arg8 : memref<12800xi32, #tpu.memory_space<vmem>>) semaphore(%arg18 : memref<!tpu.dma_semaphore, #tpu.memory_space<semaphore_mem>>)
      %dma_wait3A_70 = tpu.memref_slice %arg3[%mul3A_59] : memref<6400000xi32, #tpu.memory_space<hbm>> -> memref<12800xi32, #tpu.memory_space<hbm>>
      %dma_wait3A_71 = tpu.memref_slice %arg3[%mul3A_59] : memref<6400000xi32, #tpu.memory_space<hbm>> -> memref<12800xi32, #tpu.memory_space<hbm>>
      tpu.wait_dma2 semaphore(%arg17 : memref<!tpu.dma_semaphore, #tpu.memory_space<semaphore_mem>>) src(%dma_wait3A_71 : memref<12800xi32, #tpu.memory_space<hbm>>) dst(%arg9 : memref<12800xi32, #tpu.memory_space<vmem>>)
      %dma_wait3A_72 = tpu.memref_slice %arg4[%mul3A_59] : memref<6400000xi32, #tpu.memory_space<hbm>> -> memref<12800xi32, #tpu.memory_space<hbm>>
      %dma_wait3A_73 = tpu.memref_slice %arg4[%mul3A_59] : memref<6400000xi32, #tpu.memory_space<hbm>> -> memref<12800xi32, #tpu.memory_space<hbm>>
      tpu.wait_dma2 semaphore(%arg17 : memref<!tpu.dma_semaphore, #tpu.memory_space<semaphore_mem>>) src(%dma_wait3A_73 : memref<12800xi32, #tpu.memory_space<hbm>>) dst(%arg11 : memref<12800xi32, #tpu.memory_space<vmem>>)
      %dma_start3A_74 = arith.constant 0 : i32
      %dma_start3A_75 = tpu.memref_slice %arg14[%dma_start3A_74] : memref<102400xf32, #tpu.memory_space<vmem_shared>> -> memref<102400xf32, #tpu.memory_space<vmem_shared>>
      tpu.enqueue_indirect_dma source(%dma_start3A_75 : memref<102400xf32, #tpu.memory_space<vmem_shared>>) target(%arg13 : memref<12800xf32, #tpu.memory_space<vmem>>) offsets(%arg9 : memref<12800xi32, #tpu.memory_space<vmem>>) semaphore(%arg19 : memref<!tpu.dma_semaphore, #tpu.memory_space<semaphore_mem>>)
      %dma_wait3A_76 = arith.constant 0 : i32
      %dma_wait3A_77 = tpu.memref_slice %arg14[%dma_wait3A_76] : memref<102400xf32, #tpu.memory_space<vmem_shared>> -> memref<102400xf32, #tpu.memory_space<vmem_shared>>
      tpu.wait_indirect_dma semaphore(%arg18 : memref<!tpu.dma_semaphore, #tpu.memory_space<semaphore_mem>>) src(%dma_wait3A_77 : memref<102400xf32, #tpu.memory_space<vmem_shared>>) dst(%arg12 : memref<12800xf32, #tpu.memory_space<vmem>>)
      %ge3A = arith.cmpi sge, %mul3A_31, %add3A_6 : i32
      %convert_element_type3A_78 = arith.extui %ge3A : i1 to i32
      %cond3A_79 = arith.constant 0 : i32
      %cond3A_80 = arith.cmpi ne, %convert_element_type3A_78, %cond3A_79 : i32
      scf.if %cond3A_80 {
        "tpu.region"() ({
          %run_scoped3A = tpu.sem_alloc : memref<!tpu.dma_semaphore, #tpu.memory_space<semaphore_mem>>
          %dma_start3A_91 = arith.constant 0 : i32
          %dma_start3A_92 = tpu.memref_slice %arg5[%dma_start3A_91] : memref<102400xf32, #tpu.memory_space<hbm>> -> memref<12800xf32, #tpu.memory_space<hbm>>
          %dma_start3A_93 = arith.constant 0 : i32
          %dma_start3A_94 = tpu.memref_slice %arg5[%dma_start3A_93] : memref<102400xf32, #tpu.memory_space<hbm>> -> memref<12800xf32, #tpu.memory_space<hbm>>
          tpu.enqueue_dma source(%dma_start3A_94 : memref<12800xf32, #tpu.memory_space<hbm>>) target(%arg12 : memref<12800xf32, #tpu.memory_space<vmem>>) target_semaphore(%run_scoped3A : memref<!tpu.dma_semaphore, #tpu.memory_space<semaphore_mem>>)
          %dma_wait3A_95 = arith.constant 0 : i32
          %dma_wait3A_96 = tpu.memref_slice %arg5[%dma_wait3A_95] : memref<102400xf32, #tpu.memory_space<hbm>> -> memref<12800xf32, #tpu.memory_space<hbm>>
          %dma_wait3A_97 = arith.constant 0 : i32
          %dma_wait3A_98 = tpu.memref_slice %arg5[%dma_wait3A_97] : memref<102400xf32, #tpu.memory_space<hbm>> -> memref<12800xf32, #tpu.memory_space<hbm>>
          tpu.wait_dma2 semaphore(%run_scoped3A : memref<!tpu.dma_semaphore, #tpu.memory_space<semaphore_mem>>) src(%dma_wait3A_98 : memref<12800xf32, #tpu.memory_space<hbm>>) dst(%arg12 : memref<12800xf32, #tpu.memory_space<vmem>>)
          tpu.yield
        }) : () -> ()
      } else {
      }
      %dma_start3A_81 = arith.constant 0 : i32
      %dma_start3A_82 = tpu.memref_slice %arg15[%dma_start3A_81] : memref<102400xf32, #tpu.memory_space<vmem_shared>> -> memref<102400xf32, #tpu.memory_space<vmem_shared>>
      tpu.enqueue_indirect_dma source(%arg12 : memref<12800xf32, #tpu.memory_space<vmem>>) target(%dma_start3A_82 : memref<102400xf32, #tpu.memory_space<vmem_shared>>) offsets(%arg10 : memref<12800xi32, #tpu.memory_space<vmem>>) semaphore(%arg20 : memref<!tpu.dma_semaphore, #tpu.memory_space<semaphore_mem>>) {add = true}
      %dma_wait3A_83 = arith.constant 0 : i32
      %dma_wait3A_84 = tpu.memref_slice %arg14[%dma_wait3A_83] : memref<102400xf32, #tpu.memory_space<vmem_shared>> -> memref<102400xf32, #tpu.memory_space<vmem_shared>>
      tpu.wait_indirect_dma semaphore(%arg19 : memref<!tpu.dma_semaphore, #tpu.memory_space<semaphore_mem>>) src(%dma_wait3A_84 : memref<102400xf32, #tpu.memory_space<vmem_shared>>) dst(%arg13 : memref<12800xf32, #tpu.memory_space<vmem>>)
      %ge3A_85 = arith.cmpi sge, %add3A_35, %add3A_6 : i32
      %convert_element_type3A_86 = arith.extui %ge3A_85 : i1 to i32
      %cond3A_87 = arith.constant 0 : i32
      %cond3A_88 = arith.cmpi ne, %convert_element_type3A_86, %cond3A_87 : i32
      scf.if %cond3A_88 {
        "tpu.region"() ({
          %run_scoped3A = tpu.sem_alloc : memref<!tpu.dma_semaphore, #tpu.memory_space<semaphore_mem>>
          %dma_start3A_91 = arith.constant 0 : i32
          %dma_start3A_92 = tpu.memref_slice %arg5[%dma_start3A_91] : memref<102400xf32, #tpu.memory_space<hbm>> -> memref<12800xf32, #tpu.memory_space<hbm>>
          %dma_start3A_93 = arith.constant 0 : i32
          %dma_start3A_94 = tpu.memref_slice %arg5[%dma_start3A_93] : memref<102400xf32, #tpu.memory_space<hbm>> -> memref<12800xf32, #tpu.memory_space<hbm>>
          tpu.enqueue_dma source(%dma_start3A_94 : memref<12800xf32, #tpu.memory_space<hbm>>) target(%arg13 : memref<12800xf32, #tpu.memory_space<vmem>>) target_semaphore(%run_scoped3A : memref<!tpu.dma_semaphore, #tpu.memory_space<semaphore_mem>>)
          %dma_wait3A_95 = arith.constant 0 : i32
          %dma_wait3A_96 = tpu.memref_slice %arg5[%dma_wait3A_95] : memref<102400xf32, #tpu.memory_space<hbm>> -> memref<12800xf32, #tpu.memory_space<hbm>>
          %dma_wait3A_97 = arith.constant 0 : i32
          %dma_wait3A_98 = tpu.memref_slice %arg5[%dma_wait3A_97] : memref<102400xf32, #tpu.memory_space<hbm>> -> memref<12800xf32, #tpu.memory_space<hbm>>
          tpu.wait_dma2 semaphore(%run_scoped3A : memref<!tpu.dma_semaphore, #tpu.memory_space<semaphore_mem>>) src(%dma_wait3A_98 : memref<12800xf32, #tpu.memory_space<hbm>>) dst(%arg13 : memref<12800xf32, #tpu.memory_space<vmem>>)
          tpu.yield
        }) : () -> ()
      } else {
      }
      %dma_start3A_89 = arith.constant 0 : i32
      %dma_start3A_90 = tpu.memref_slice %arg15[%dma_start3A_89] : memref<102400xf32, #tpu.memory_space<vmem_shared>> -> memref<102400xf32, #tpu.memory_space<vmem_shared>>
      tpu.enqueue_indirect_dma source(%arg13 : memref<12800xf32, #tpu.memory_space<vmem>>) target(%dma_start3A_90 : memref<102400xf32, #tpu.memory_space<vmem_shared>>) offsets(%arg11 : memref<12800xi32, #tpu.memory_space<vmem>>) semaphore(%arg21 : memref<!tpu.dma_semaphore, #tpu.memory_space<semaphore_mem>>) {add = true}
    }
    %scan3A_17 = arith.constant 8 : i32
    %dma_wait3A = arith.constant 0 : i32
    %dma_wait3A_18 = tpu.memref_slice %arg15[%dma_wait3A] : memref<102400xf32, #tpu.memory_space<vmem_shared>> -> memref<102400xf32, #tpu.memory_space<vmem_shared>>
    tpu.wait_indirect_dma semaphore(%arg20 : memref<!tpu.dma_semaphore, #tpu.memory_space<semaphore_mem>>) src(%arg12 : memref<12800xf32, #tpu.memory_space<vmem>>) dst(%dma_wait3A_18 : memref<102400xf32, #tpu.memory_space<vmem_shared>>)
    %dma_wait3A_19 = arith.constant 0 : i32
    %dma_wait3A_20 = tpu.memref_slice %arg15[%dma_wait3A_19] : memref<102400xf32, #tpu.memory_space<vmem_shared>> -> memref<102400xf32, #tpu.memory_space<vmem_shared>>
    tpu.wait_indirect_dma semaphore(%arg21 : memref<!tpu.dma_semaphore, #tpu.memory_space<semaphore_mem>>) src(%arg13 : memref<12800xf32, #tpu.memory_space<vmem>>) dst(%dma_wait3A_20 : memref<102400xf32, #tpu.memory_space<vmem_shared>>)
    %barrier3A_21 = arith.constant 0 : index
    tpu.barrier barrier_id(%barrier3A_21)
    %eq3A = arith.constant 0 : i32
    %eq3A_22 = arith.cmpi eq, %arg0, %eq3A : i32
    %convert_element_type3A = arith.extui %eq3A_22 : i1 to i32
    %cond3A = arith.constant 0 : i32
    %cond3A_23 = arith.cmpi ne, %convert_element_type3A, %cond3A : i32
    scf.if %cond3A_23 {
      "tpu.region"() ({
        %run_scoped3A = tpu.sem_alloc : memref<!tpu.dma_semaphore, #tpu.memory_space<semaphore_mem>>
        %dma_start3A_29 = tpu.memref_slice %arg6[%mul3A_0] : memref<102400xf32, #tpu.memory_space<hbm>> -> memref<6400xf32, #tpu.memory_space<hbm>>
        %dma_start3A_30 = tpu.memref_slice %arg15[%mul3A_0] : memref<102400xf32, #tpu.memory_space<vmem_shared>> -> memref<6400xf32, #tpu.memory_space<vmem_shared>>
        tpu.enqueue_dma source(%dma_start3A_30 : memref<6400xf32, #tpu.memory_space<vmem_shared>>) target(%dma_start3A_29 : memref<6400xf32, #tpu.memory_space<hbm>>) target_semaphore(%run_scoped3A : memref<!tpu.dma_semaphore, #tpu.memory_space<semaphore_mem>>)
        %dma_wait3A_31 = tpu.memref_slice %arg6[%mul3A_0] : memref<102400xf32, #tpu.memory_space<hbm>> -> memref<6400xf32, #tpu.memory_space<hbm>>
        %dma_wait3A_32 = tpu.memref_slice %arg15[%mul3A_0] : memref<102400xf32, #tpu.memory_space<vmem_shared>> -> memref<6400xf32, #tpu.memory_space<vmem_shared>>
        tpu.wait_dma2 semaphore(%run_scoped3A : memref<!tpu.dma_semaphore, #tpu.memory_space<semaphore_mem>>) src(%dma_wait3A_32 : memref<6400xf32, #tpu.memory_space<vmem_shared>>) dst(%dma_wait3A_31 : memref<6400xf32, #tpu.memory_space<hbm>>)
        tpu.yield
      }) : () -> ()
    } else {
    }
    %eq3A_24 = arith.constant 1 : i32
    %eq3A_25 = arith.cmpi eq, %arg0, %eq3A_24 : i32
    %convert_element_type3A_26 = arith.extui %eq3A_25 : i1 to i32
    %cond3A_27 = arith.constant 0 : i32
    %cond3A_28 = arith.cmpi ne, %convert_element_type3A_26, %cond3A_27 : i32
    scf.if %cond3A_28 {
      "tpu.region"() ({
        %run_scoped3A = tpu.sem_alloc : memref<!tpu.dma_semaphore, #tpu.memory_space<semaphore_mem>>
        %dma_start3A_29 = tpu.memref_slice %arg7[%mul3A_0] : memref<102400xf32, #tpu.memory_space<hbm>> -> memref<6400xf32, #tpu.memory_space<hbm>>
        %dma_start3A_30 = tpu.memref_slice %arg15[%mul3A_0] : memref<102400xf32, #tpu.memory_space<vmem_shared>> -> memref<6400xf32, #tpu.memory_space<vmem_shared>>
        tpu.enqueue_dma source(%dma_start3A_30 : memref<6400xf32, #tpu.memory_space<vmem_shared>>) target(%dma_start3A_29 : memref<6400xf32, #tpu.memory_space<hbm>>) target_semaphore(%run_scoped3A : memref<!tpu.dma_semaphore, #tpu.memory_space<semaphore_mem>>)
        %dma_wait3A_31 = tpu.memref_slice %arg7[%mul3A_0] : memref<102400xf32, #tpu.memory_space<hbm>> -> memref<6400xf32, #tpu.memory_space<hbm>>
        %dma_wait3A_32 = tpu.memref_slice %arg15[%mul3A_0] : memref<102400xf32, #tpu.memory_space<vmem_shared>> -> memref<6400xf32, #tpu.memory_space<vmem_shared>>
        tpu.wait_dma2 semaphore(%run_scoped3A : memref<!tpu.dma_semaphore, #tpu.memory_space<semaphore_mem>>) src(%dma_wait3A_32 : memref<6400xf32, #tpu.memory_space<vmem_shared>>) dst(%dma_wait3A_31 : memref<6400xf32, #tpu.memory_space<hbm>>)
        tpu.yield
      }) : () -> ()
    } else {
    }
    return
  }
}

module attributes {stable_mosaic.version = 14 : i64} {
  func.func @kern(%arg0: i32, %arg1: memref<1x12800xf32, #tpu.memory_space<vmem>>, %arg2: memref<1x12800xf32, #tpu.memory_space<vmem>>, %arg3: memref<1x12800xf32, #tpu.memory_space<vmem>>, %arg4: memref<1x1xf32, #tpu.memory_space<vmem>>, %arg5: memref<1x1xf32, #tpu.memory_space<vmem>>, %arg6: memref<1x1xf32, #tpu.memory_space<vmem>>, %arg7: memref<1x12800xf32, #tpu.memory_space<vmem>>, %arg8: memref<2x1xf32, #tpu.memory_space<vmem>>, %arg9: memref<2x1xf32, #tpu.memory_space<vmem>>) attributes {dimension_semantics = [#tpu.dimension_semantics<arbitrary>], iteration_bounds = array<i64: 8>, scalar_prefetch = 0 : i64, scratch_operands = 1 : i64, tpu.core_type = #tpu.core_type<tc>, window_params = [{transform_indices = @transform_0, window_bounds = array<i64: 1, 12800>}, {transform_indices = @transform_1, window_bounds = array<i64: 1, 12800>}, {transform_indices = @transform_2, window_bounds = array<i64: 1, 12800>}, {pipeline_mode = #tpu.pipeline_mode<synchronous>, transform_indices = @transform_3, window_bounds = array<i64: 1, 1>}, {pipeline_mode = #tpu.pipeline_mode<synchronous>, transform_indices = @transform_4, window_bounds = array<i64: 1, 1>}, {pipeline_mode = #tpu.pipeline_mode<synchronous>, transform_indices = @transform_5, window_bounds = array<i64: 1, 1>}, {transform_indices = @transform_6, window_bounds = array<i64: 1, 12800>}, {pipeline_mode = #tpu.pipeline_mode<synchronous>, transform_indices = @transform_7, window_bounds = array<i64: 2, 1>}]} {
    %eq3A = arith.constant 0 : i32
    %eq3A_0 = arith.cmpi eq, %arg0, %eq3A : i32
    %convert_element_type3A = arith.extui %eq3A_0 : i1 to i32
    %cond3A = arith.constant 0 : i32
    %cond3A_1 = arith.cmpi ne, %convert_element_type3A, %cond3A : i32
    scf.if %cond3A_1 {
      %broadcast_in_dim3A_58 = arith.constant 0.000000e+00 : f32
      %broadcast_in_dim3A_59 = vector.broadcast %broadcast_in_dim3A_58 : f32 to vector<2x1xf32>
      %swap3A_60 = arith.constant 0 : index
      %swap3A_61 = arith.constant 0 : index
      %swap3A_62 = vector.load %arg9[%swap3A_60, %swap3A_61] : memref<2x1xf32, #tpu.memory_space<vmem>>, vector<2x1xf32>
      tpu.vector_store %arg9[%swap3A_60, %swap3A_61], %broadcast_in_dim3A_59 {strides = array<i32>} : memref<2x1xf32, #tpu.memory_space<vmem>>, vector<2x1xf32>,
    } else {
    }
    %get3A = arith.constant 0 : index
    %get3A_2 = arith.constant 0 : index
    %get3A_3 = vector.load %arg4[%get3A, %get3A_2] : memref<1x1xf32, #tpu.memory_space<vmem>>, vector<1x1xf32>
    %get3A_4 = arith.constant 0 : index
    %get3A_5 = arith.constant 0 : index
    %get3A_6 = vector.load %arg6[%get3A_4, %get3A_5] : memref<1x1xf32, #tpu.memory_space<vmem>>, vector<1x1xf32>
    %get3A_7 = arith.constant 0 : index
    %get3A_8 = arith.constant 0 : index
    %get3A_9 = vector.load %arg5[%get3A_7, %get3A_8] : memref<1x1xf32, #tpu.memory_space<vmem>>, vector<1x1xf32>
    %get3A_10 = arith.constant 0 : index
    %get3A_11 = arith.constant 0 : index
    %get3A_12 = vector.load %arg1[%get3A_10, %get3A_11] : memref<1x12800xf32, #tpu.memory_space<vmem>>, vector<1x12800xf32>
    %get3A_13 = arith.constant 0 : index
    %get3A_14 = arith.constant 0 : index
    %get3A_15 = vector.load %arg2[%get3A_13, %get3A_14] : memref<1x12800xf32, #tpu.memory_space<vmem>>, vector<1x12800xf32>
    %add3A = arith.addf %get3A_12, %get3A_15 : vector<1x12800xf32>
    %mul3A = vector.broadcast %get3A_3 : vector<1x1xf32> to vector<1x12800xf32>
    %mul3A_16 = arith.mulf %add3A, %mul3A : vector<1x12800xf32>
    %add3A_17 = vector.broadcast %get3A_9 : vector<1x1xf32> to vector<1x12800xf32>
    %add3A_18 = arith.addf %mul3A_16, %add3A_17 : vector<1x12800xf32>
    %get3A_19 = arith.constant 0 : index
    %get3A_20 = arith.constant 0 : index
    %get3A_21 = vector.load %arg3[%get3A_19, %get3A_20] : memref<1x12800xf32, #tpu.memory_space<vmem>>, vector<1x12800xf32>
    %mul3A_22 = vector.broadcast %get3A_6 : vector<1x1xf32> to vector<1x12800xf32>
    %mul3A_23 = arith.mulf %get3A_21, %mul3A_22 : vector<1x12800xf32>
    %add3A_24 = arith.addf %add3A_18, %mul3A_23 : vector<1x12800xf32>
    %swap3A = arith.constant 0 : index
    %swap3A_25 = arith.constant 0 : index
    %swap3A_26 = vector.load %arg7[%swap3A, %swap3A_25] : memref<1x12800xf32, #tpu.memory_space<vmem>>, vector<1x12800xf32>
    tpu.vector_store %arg7[%swap3A, %swap3A_25], %add3A_24 {strides = array<i32>} : memref<1x12800xf32, #tpu.memory_space<vmem>>, vector<1x12800xf32>,
    %iota3A = tpu.iota {dimensions = array<i32: 1>} : vector<1x12800xi32>
    %mul3A_27 = arith.constant 12800 : i32
    %mul3A_28 = arith.muli %arg0, %mul3A_27 : i32
    %add3A_29 = vector.broadcast %mul3A_28 : i32 to vector<1x12800xi32>
    %add3A_30 = arith.addi %iota3A, %add3A_29 : vector<1x12800xi32>
    %lt3A = arith.constant 100000 : i32
    %lt3A_31 = vector.broadcast %lt3A : i32 to vector<1x12800xi32>
    %lt3A_32 = arith.cmpi slt, %add3A_30, %lt3A_31 : vector<1x12800xi32>
    %jit3A = arith.constant 0.000000e+00 : f32
    %broadcast_in_dim3A = vector.broadcast %jit3A : f32 to vector<1x12800xf32>
    %select_n3A = arith.select %lt3A_32, %add3A_24, %broadcast_in_dim3A : vector<1x12800xi1>, vector<1x12800xf32>
    %get3A_33 = arith.constant 0 : index
    %get3A_34 = arith.constant 0 : index
    %get3A_35 = vector.load %arg9[%get3A_33, %get3A_34] : memref<2x1xf32, #tpu.memory_space<vmem>>, vector<1x1xf32>
    %reduce_sum3A = arith.constant dense<0.000000e+00> : vector<1xf32>
    %reduce_sum3A_36 = vector.multi_reduction <add>, %select_n3A, %reduce_sum3A [1] : vector<1x12800xf32> to vector<1xf32>
    %broadcast_in_dim3A_37 = vector.shape_cast %reduce_sum3A_36 : vector<1xf32> to vector<1x1xf32>
    %add3A_38 = arith.addf %get3A_35, %broadcast_in_dim3A_37 : vector<1x1xf32>
    %swap3A_39 = arith.constant 0 : index
    %swap3A_40 = arith.constant 0 : index
    %swap3A_41 = vector.load %arg9[%swap3A_39, %swap3A_40] : memref<2x1xf32, #tpu.memory_space<vmem>>, vector<1x1xf32>
    tpu.vector_store %arg9[%swap3A_39, %swap3A_40], %add3A_38 {strides = array<i32>} : memref<2x1xf32, #tpu.memory_space<vmem>>, vector<1x1xf32>,
    %get3A_42 = arith.constant 1 : index
    %get3A_43 = arith.constant 0 : index
    %get3A_44 = vector.load %arg9[%get3A_42, %get3A_43] : memref<2x1xf32, #tpu.memory_space<vmem>>, vector<1x1xf32>
    %mul3A_45 = arith.mulf %select_n3A, %select_n3A : vector<1x12800xf32>
    %reduce_sum3A_46 = arith.constant dense<0.000000e+00> : vector<1xf32>
    %reduce_sum3A_47 = vector.multi_reduction <add>, %mul3A_45, %reduce_sum3A_46 [1] : vector<1x12800xf32> to vector<1xf32>
    %broadcast_in_dim3A_48 = vector.shape_cast %reduce_sum3A_47 : vector<1xf32> to vector<1x1xf32>
    %add3A_49 = arith.addf %get3A_44, %broadcast_in_dim3A_48 : vector<1x1xf32>
    %swap3A_50 = arith.constant 1 : index
    %swap3A_51 = arith.constant 0 : index
    %swap3A_52 = vector.load %arg9[%swap3A_50, %swap3A_51] : memref<2x1xf32, #tpu.memory_space<vmem>>, vector<1x1xf32>
    tpu.vector_store %arg9[%swap3A_50, %swap3A_51], %add3A_49 {strides = array<i32>} : memref<2x1xf32, #tpu.memory_space<vmem>>, vector<1x1xf32>,
    %eq3A_53 = arith.constant 7 : i32
    %eq3A_54 = arith.cmpi eq, %arg0, %eq3A_53 : i32
    %convert_element_type3A_55 = arith.extui %eq3A_54 : i1 to i32
    %cond3A_56 = arith.constant 0 : i32
    %cond3A_57 = arith.cmpi ne, %convert_element_type3A_55, %cond3A_56 : i32
    scf.if %cond3A_57 {
      %get3A_58 = arith.constant 0 : index
      %get3A_59 = arith.constant 0 : index
      %get3A_60 = vector.load %arg9[%get3A_58, %get3A_59] : memref<2x1xf32, #tpu.memory_space<vmem>>, vector<2x1xf32>
      %swap3A_61 = arith.constant 0 : index
      %swap3A_62 = arith.constant 0 : index
      %swap3A_63 = vector.load %arg8[%swap3A_61, %swap3A_62] : memref<2x1xf32, #tpu.memory_space<vmem>>, vector<2x1xf32>
      tpu.vector_store %arg8[%swap3A_61, %swap3A_62], %get3A_60 {strides = array<i32>} : memref<2x1xf32, #tpu.memory_space<vmem>>, vector<2x1xf32>,
    } else {
    }
    return
  }
  func.func @transform_0(%arg0: i32) -> (i32, i32) {
    %c0_i32 = arith.constant 0 : i32
    %c0_i32_0 = arith.constant 0 : i32
    return %c0_i32, %arg0 : i32, i32
  }
  func.func @transform_1(%arg0: i32) -> (i32, i32) {
    %c0_i32 = arith.constant 0 : i32
    %c0_i32_0 = arith.constant 0 : i32
    return %c0_i32, %arg0 : i32, i32
  }
  func.func @transform_2(%arg0: i32) -> (i32, i32) {
    %c0_i32 = arith.constant 0 : i32
    %c0_i32_0 = arith.constant 0 : i32
    return %c0_i32, %arg0 : i32, i32
  }
  func.func @transform_3(%arg0: i32) -> (i32, i32) {
    %c0_i32 = arith.constant 0 : i32
    %c0_i32_0 = arith.constant 0 : i32
    %c0_i32_1 = arith.constant 0 : i32
    return %c0_i32, %c0_i32_0 : i32, i32
  }
  func.func @transform_4(%arg0: i32) -> (i32, i32) {
    %c0_i32 = arith.constant 0 : i32
    %c0_i32_0 = arith.constant 0 : i32
    %c0_i32_1 = arith.constant 0 : i32
    return %c0_i32, %c0_i32_0 : i32, i32
  }
  func.func @transform_5(%arg0: i32) -> (i32, i32) {
    %c0_i32 = arith.constant 0 : i32
    %c0_i32_0 = arith.constant 0 : i32
    %c0_i32_1 = arith.constant 0 : i32
    return %c0_i32, %c0_i32_0 : i32, i32
  }
  func.func @transform_6(%arg0: i32) -> (i32, i32) {
    %c0_i32 = arith.constant 0 : i32
    %c0_i32_0 = arith.constant 0 : i32
    return %c0_i32, %arg0 : i32, i32
  }
  func.func @transform_7(%arg0: i32) -> (i32, i32) {
    %c0_i32 = arith.constant 0 : i32
    %c0_i32_0 = arith.constant 0 : i32
    %c0_i32_1 = arith.constant 0 : i32
    return %c0_i32, %c0_i32_0 : i32, i32
  }
}

module attributes {stable_mosaic.version = 14 : i64} {
  func.func @kern(%arg0: i32, %arg1: memref<1x4096xf32, #tpu.memory_space<vmem>>, %arg2: memref<2x1xf32, #tpu.memory_space<vmem>>, %arg3: memref<200x1xf32, #tpu.memory_space<vmem>>, %arg4: memref<200x1xf32, #tpu.memory_space<vmem>>, %arg5: memref<200x1xf32, #tpu.memory_space<vmem>>, %arg6: memref<200x200xf32, #tpu.memory_space<vmem>>, %arg7: memref<200x1xf32, #tpu.memory_space<vmem>>, %arg8: memref<200x4096xf32, #tpu.memory_space<vmem>>, %arg9: memref<200x2xf32, #tpu.memory_space<vmem>>, %arg10: memref<200x2xf32, #tpu.memory_space<vmem>>) attributes {dimension_semantics = [#tpu.dimension_semantics<arbitrary>], iteration_bounds = array<i64: 25>, scalar_prefetch = 0 : i64, scratch_operands = 1 : i64, tpu.core_type = #tpu.core_type<tc>, window_params = [{transform_indices = @transform_0, window_bounds = array<i64: 1, 4096>}, {pipeline_mode = #tpu.pipeline_mode<synchronous>, transform_indices = @transform_1, window_bounds = array<i64: 2, 1>}, {pipeline_mode = #tpu.pipeline_mode<synchronous>, transform_indices = @transform_2, window_bounds = array<i64: 200, 1>}, {pipeline_mode = #tpu.pipeline_mode<synchronous>, transform_indices = @transform_3, window_bounds = array<i64: 200, 1>}, {pipeline_mode = #tpu.pipeline_mode<synchronous>, transform_indices = @transform_4, window_bounds = array<i64: 200, 1>}, {pipeline_mode = #tpu.pipeline_mode<synchronous>, transform_indices = @transform_5, window_bounds = array<i64: 200, 200>}, {pipeline_mode = #tpu.pipeline_mode<synchronous>, transform_indices = @transform_6, window_bounds = array<i64: 200, 1>}, {transform_indices = @transform_7, window_bounds = array<i64: 200, 4096>}, {pipeline_mode = #tpu.pipeline_mode<synchronous>, transform_indices = @transform_8, window_bounds = array<i64: 200, 2>}]} {
    %eq3A = arith.constant 0 : i32
    %eq3A_0 = arith.cmpi eq, %arg0, %eq3A : i32
    %convert_element_type3A = arith.extui %eq3A_0 : i1 to i32
    %cond3A = arith.constant 0 : i32
    %cond3A_1 = arith.cmpi ne, %convert_element_type3A, %cond3A : i32
    scf.if %cond3A_1 {
      %broadcast_in_dim3A_84 = arith.constant 0.000000e+00 : f32
      %broadcast_in_dim3A_85 = vector.broadcast %broadcast_in_dim3A_84 : f32 to vector<200x2xf32>
      %swap3A_86 = arith.constant 0 : index
      %swap3A_87 = arith.constant 0 : index
      %swap3A_88 = vector.load %arg10[%swap3A_86, %swap3A_87] : memref<200x2xf32, #tpu.memory_space<vmem>>, vector<200x2xf32>
      tpu.vector_store %arg10[%swap3A_86, %swap3A_87], %broadcast_in_dim3A_85 {strides = array<i32>} : memref<200x2xf32, #tpu.memory_space<vmem>>, vector<200x2xf32>,
    } else {
    }
    %get3A = arith.constant 0 : index
    %get3A_2 = arith.constant 0 : index
    %get3A_3 = vector.load %arg2[%get3A, %get3A_2] : memref<2x1xf32, #tpu.memory_space<vmem>>, vector<1x1xf32>
    %div3A = arith.constant 1.000000e+05 : f32
    %div3A_4 = vector.broadcast %div3A : f32 to vector<1x1xf32>
    %div3A_5 = arith.divf %get3A_3, %div3A_4 : vector<1x1xf32>
    %get3A_6 = arith.constant 1 : index
    %get3A_7 = arith.constant 0 : index
    %get3A_8 = vector.load %arg2[%get3A_6, %get3A_7] : memref<2x1xf32, #tpu.memory_space<vmem>>, vector<1x1xf32>
    %div3A_9 = arith.constant 1.000000e+05 : f32
    %div3A_10 = vector.broadcast %div3A_9 : f32 to vector<1x1xf32>
    %div3A_11 = arith.divf %get3A_8, %div3A_10 : vector<1x1xf32>
    %mul3A = arith.mulf %div3A_5, %div3A_5 : vector<1x1xf32>
    %sub3A = arith.subf %div3A_11, %mul3A : vector<1x1xf32>
    %get3A_12 = arith.constant 0 : index
    %get3A_13 = arith.constant 0 : index
    %get3A_14 = vector.load %arg3[%get3A_12, %get3A_13] : memref<200x1xf32, #tpu.memory_space<vmem>>, vector<200x1xf32>
    %get3A_15 = arith.constant 0 : index
    %get3A_16 = arith.constant 0 : index
    %get3A_17 = vector.load %arg4[%get3A_15, %get3A_16] : memref<200x1xf32, #tpu.memory_space<vmem>>, vector<200x1xf32>
    %mul3A_18 = arith.mulf %get3A_14, %get3A_17 : vector<200x1xf32>
    %mul3A_19 = vector.broadcast %sub3A : vector<1x1xf32> to vector<200x1xf32>
    %mul3A_20 = arith.mulf %mul3A_19, %get3A_14 : vector<200x1xf32>
    %mul3A_21 = arith.mulf %mul3A_20, %get3A_14 : vector<200x1xf32>
    %add3A = arith.constant 9.99999974E-6 : f32
    %add3A_22 = vector.broadcast %add3A : f32 to vector<200x1xf32>
    %add3A_23 = arith.addf %mul3A_21, %add3A_22 : vector<200x1xf32>
    %rsqrt3A = math.rsqrt %add3A_23 : vector<200x1xf32>
    %mul3A_24 = arith.mulf %mul3A_18, %rsqrt3A : vector<200x1xf32>
    %get3A_25 = arith.constant 0 : index
    %get3A_26 = arith.constant 0 : index
    %get3A_27 = vector.load %arg1[%get3A_25, %get3A_26] : memref<1x4096xf32, #tpu.memory_space<vmem>>, vector<1x4096xf32>
    %sub3A_28 = vector.broadcast %div3A_5 : vector<1x1xf32> to vector<1x4096xf32>
    %sub3A_29 = arith.subf %get3A_27, %sub3A_28 : vector<1x4096xf32>
    %mul3A_30 = vector.broadcast %mul3A_24 : vector<200x1xf32> to vector<200x4096xf32>
    %mul3A_31 = vector.broadcast %sub3A_29 : vector<1x4096xf32> to vector<200x4096xf32>
    %mul3A_32 = arith.mulf %mul3A_30, %mul3A_31 : vector<200x4096xf32>
    %get3A_33 = arith.constant 0 : index
    %get3A_34 = arith.constant 0 : index
    %get3A_35 = vector.load %arg5[%get3A_33, %get3A_34] : memref<200x1xf32, #tpu.memory_space<vmem>>, vector<200x1xf32>
    %add3A_36 = vector.broadcast %get3A_35 : vector<200x1xf32> to vector<200x4096xf32>
    %add3A_37 = arith.addf %mul3A_32, %add3A_36 : vector<200x4096xf32>
    %max3A = arith.constant 0.000000e+00 : f32
    %max3A_38 = vector.broadcast %max3A : f32 to vector<200x4096xf32>
    %max3A_39 = arith.maximumf %add3A_37, %max3A_38 : vector<200x4096xf32>
    %iota3A = tpu.iota {dimensions = array<i32: 1>} : vector<1x4096xi32>
    %mul3A_40 = arith.constant 4096 : i32
    %mul3A_41 = arith.muli %arg0, %mul3A_40 : i32
    %add3A_42 = vector.broadcast %mul3A_41 : i32 to vector<1x4096xi32>
    %add3A_43 = arith.addi %iota3A, %add3A_42 : vector<1x4096xi32>
    %lt3A = arith.constant 100000 : i32
    %lt3A_44 = vector.broadcast %lt3A : i32 to vector<1x4096xi32>
    %lt3A_45 = arith.cmpi slt, %add3A_43, %lt3A_44 : vector<1x4096xi32>
    %jit3A = arith.constant 0.000000e+00 : f32
    %broadcast_in_dim3A = vector.shape_cast %lt3A_45 : vector<1x4096xi1> to vector<1x4096xi1>
    %broadcast_in_dim3A_46 = vector.broadcast %broadcast_in_dim3A : vector<1x4096xi1> to vector<200x4096xi1>
    %broadcast_in_dim3A_47 = vector.broadcast %jit3A : f32 to vector<200x4096xf32>
    %select_n3A = arith.select %broadcast_in_dim3A_46, %max3A_39, %broadcast_in_dim3A_47 : vector<200x4096xi1>, vector<200x4096xf32>
    %get3A_48 = arith.constant 0 : index
    %get3A_49 = arith.constant 0 : index
    %get3A_50 = vector.load %arg6[%get3A_48, %get3A_49] : memref<200x200xf32, #tpu.memory_space<vmem>>, vector<200x200xf32>
    %dot_general3A = arith.constant dense<0.000000e+00> : vector<200x4096xf32>
    %dot_general3A_51 = tpu.matmul %get3A_50, %select_n3A, %dot_general3A {dimension_numbers = #tpu.dot_dimension_numbers<[1], [0], [0], [1], [0, 0, 1, 1], [], []>, transpose_lhs_hint = false} : vector<200x200xf32>, vector<200x4096xf32>, vector<200x4096xf32> -> vector<200x4096xf32>
    %get3A_52 = arith.constant 0 : index
    %get3A_53 = arith.constant 0 : index
    %get3A_54 = vector.load %arg7[%get3A_52, %get3A_53] : memref<200x1xf32, #tpu.memory_space<vmem>>, vector<200x1xf32>
    %add3A_55 = vector.broadcast %get3A_54 : vector<200x1xf32> to vector<200x4096xf32>
    %add3A_56 = arith.addf %dot_general3A_51, %add3A_55 : vector<200x4096xf32>
    %swap3A = arith.constant 0 : index
    %swap3A_57 = arith.constant 0 : index
    %swap3A_58 = vector.load %arg8[%swap3A, %swap3A_57] : memref<200x4096xf32, #tpu.memory_space<vmem>>, vector<200x4096xf32>
    tpu.vector_store %arg8[%swap3A, %swap3A_57], %add3A_56 {strides = array<i32>} : memref<200x4096xf32, #tpu.memory_space<vmem>>, vector<200x4096xf32>,
    %get3A_59 = arith.constant 0 : index
    %get3A_60 = arith.constant 0 : index
    %get3A_61 = vector.load %arg10[%get3A_59, %get3A_60] : memref<200x2xf32, #tpu.memory_space<vmem>>, vector<200x1xf32>
    %reduce_sum3A = arith.constant dense<0.000000e+00> : vector<200xf32>
    %reduce_sum3A_62 = vector.multi_reduction <add>, %add3A_56, %reduce_sum3A [1] : vector<200x4096xf32> to vector<200xf32>
    %broadcast_in_dim3A_63 = vector.shape_cast %reduce_sum3A_62 : vector<200xf32> to vector<200x1xf32>
    %add3A_64 = arith.addf %get3A_61, %broadcast_in_dim3A_63 : vector<200x1xf32>
    %swap3A_65 = arith.constant 0 : index
    %swap3A_66 = arith.constant 0 : index
    %swap3A_67 = vector.load %arg10[%swap3A_65, %swap3A_66] : memref<200x2xf32, #tpu.memory_space<vmem>>, vector<200x1xf32>
    tpu.vector_store %arg10[%swap3A_65, %swap3A_66], %add3A_64 {strides = array<i32>} : memref<200x2xf32, #tpu.memory_space<vmem>>, vector<200x1xf32>,
    %get3A_68 = arith.constant 0 : index
    %get3A_69 = arith.constant 1 : index
    %get3A_70 = vector.load %arg10[%get3A_68, %get3A_69] : memref<200x2xf32, #tpu.memory_space<vmem>>, vector<200x1xf32>
    %mul3A_71 = arith.mulf %add3A_56, %add3A_56 : vector<200x4096xf32>
    %reduce_sum3A_72 = arith.constant dense<0.000000e+00> : vector<200xf32>
    %reduce_sum3A_73 = vector.multi_reduction <add>, %mul3A_71, %reduce_sum3A_72 [1] : vector<200x4096xf32> to vector<200xf32>
    %broadcast_in_dim3A_74 = vector.shape_cast %reduce_sum3A_73 : vector<200xf32> to vector<200x1xf32>
    %add3A_75 = arith.addf %get3A_70, %broadcast_in_dim3A_74 : vector<200x1xf32>
    %swap3A_76 = arith.constant 0 : index
    %swap3A_77 = arith.constant 1 : index
    %swap3A_78 = vector.load %arg10[%swap3A_76, %swap3A_77] : memref<200x2xf32, #tpu.memory_space<vmem>>, vector<200x1xf32>
    tpu.vector_store %arg10[%swap3A_76, %swap3A_77], %add3A_75 {strides = array<i32>} : memref<200x2xf32, #tpu.memory_space<vmem>>, vector<200x1xf32>,
    %eq3A_79 = arith.constant 24 : i32
    %eq3A_80 = arith.cmpi eq, %arg0, %eq3A_79 : i32
    %convert_element_type3A_81 = arith.extui %eq3A_80 : i1 to i32
    %cond3A_82 = arith.constant 0 : i32
    %cond3A_83 = arith.cmpi ne, %convert_element_type3A_81, %cond3A_82 : i32
    scf.if %cond3A_83 {
      %get3A_84 = arith.constant 0 : index
      %get3A_85 = arith.constant 0 : index
      %get3A_86 = vector.load %arg7[%get3A_84, %get3A_85] : memref<200x1xf32, #tpu.memory_space<vmem>>, vector<200x1xf32>
      %get3A_87 = arith.constant 0 : index
      %get3A_88 = arith.constant 0 : index
      %get3A_89 = vector.load %arg10[%get3A_87, %get3A_88] : memref<200x2xf32, #tpu.memory_space<vmem>>, vector<200x2xf32>
      %mul3A_90 = arith.mulf %get3A_86, %get3A_86 : vector<200x1xf32>
      %concatenate3A = tpu.concatenate %get3A_86, %mul3A_90 in 1 : vector<200x1xf32>, vector<200x1xf32> -> vector<200x2xf32>
      %mul3A_91 = arith.constant 2.400000e+03 : f32
      %mul3A_92 = vector.broadcast %mul3A_91 : f32 to vector<200x2xf32>
      %mul3A_93 = arith.mulf %concatenate3A, %mul3A_92 : vector<200x2xf32>
      %sub3A_94 = arith.subf %get3A_89, %mul3A_93 : vector<200x2xf32>
      %swap3A_95 = arith.constant 0 : index
      %swap3A_96 = arith.constant 0 : index
      %swap3A_97 = vector.load %arg9[%swap3A_95, %swap3A_96] : memref<200x2xf32, #tpu.memory_space<vmem>>, vector<200x2xf32>
      tpu.vector_store %arg9[%swap3A_95, %swap3A_96], %sub3A_94 {strides = array<i32>} : memref<200x2xf32, #tpu.memory_space<vmem>>, vector<200x2xf32>,
    } else {
    }
    return
  }
  func.func @transform_0(%arg0: i32) -> (i32, i32) {
    %c0_i32 = arith.constant 0 : i32
    %c0_i32_0 = arith.constant 0 : i32
    return %c0_i32, %arg0 : i32, i32
  }
  func.func @transform_1(%arg0: i32) -> (i32, i32) {
    %c0_i32 = arith.constant 0 : i32
    %c0_i32_0 = arith.constant 0 : i32
    %c0_i32_1 = arith.constant 0 : i32
    return %c0_i32, %c0_i32_0 : i32, i32
  }
  func.func @transform_2(%arg0: i32) -> (i32, i32) {
    %c0_i32 = arith.constant 0 : i32
    %c0_i32_0 = arith.constant 0 : i32
    %c0_i32_1 = arith.constant 0 : i32
    return %c0_i32, %c0_i32_0 : i32, i32
  }
  func.func @transform_3(%arg0: i32) -> (i32, i32) {
    %c0_i32 = arith.constant 0 : i32
    %c0_i32_0 = arith.constant 0 : i32
    %c0_i32_1 = arith.constant 0 : i32
    return %c0_i32, %c0_i32_0 : i32, i32
  }
  func.func @transform_4(%arg0: i32) -> (i32, i32) {
    %c0_i32 = arith.constant 0 : i32
    %c0_i32_0 = arith.constant 0 : i32
    %c0_i32_1 = arith.constant 0 : i32
    return %c0_i32, %c0_i32_0 : i32, i32
  }
  func.func @transform_5(%arg0: i32) -> (i32, i32) {
    %c0_i32 = arith.constant 0 : i32
    %c0_i32_0 = arith.constant 0 : i32
    %c0_i32_1 = arith.constant 0 : i32
    return %c0_i32, %c0_i32_0 : i32, i32
  }
  func.func @transform_6(%arg0: i32) -> (i32, i32) {
    %c0_i32 = arith.constant 0 : i32
    %c0_i32_0 = arith.constant 0 : i32
    %c0_i32_1 = arith.constant 0 : i32
    return %c0_i32, %c0_i32_0 : i32, i32
  }
  func.func @transform_7(%arg0: i32) -> (i32, i32) {
    %c0_i32 = arith.constant 0 : i32
    %c0_i32_0 = arith.constant 0 : i32
    return %c0_i32, %arg0 : i32, i32
  }
  func.func @transform_8(%arg0: i32) -> (i32, i32) {
    %c0_i32 = arith.constant 0 : i32
    %c0_i32_0 = arith.constant 0 : i32
    %c0_i32_1 = arith.constant 0 : i32
    return %c0_i32, %c0_i32_0 : i32, i32
  }
}

module attributes {stable_mosaic.version = 14 : i64} {
  func.func @kern(%arg0: i32, %arg1: memref<200x4096xf32, #tpu.memory_space<vmem>>, %arg2: memref<200x2xf32, #tpu.memory_space<vmem>>, %arg3: memref<200x1xf32, #tpu.memory_space<vmem>>, %arg4: memref<200x1xf32, #tpu.memory_space<vmem>>, %arg5: memref<200x200xf32, #tpu.memory_space<vmem>>, %arg6: memref<200x1xf32, #tpu.memory_space<vmem>>, %arg7: memref<200x4096xf32, #tpu.memory_space<vmem>>, %arg8: memref<200x2xf32, #tpu.memory_space<vmem>>, %arg9: memref<200x2xf32, #tpu.memory_space<vmem>>) attributes {dimension_semantics = [#tpu.dimension_semantics<arbitrary>], iteration_bounds = array<i64: 25>, scalar_prefetch = 0 : i64, scratch_operands = 1 : i64, tpu.core_type = #tpu.core_type<tc>, window_params = [{transform_indices = @transform_0, window_bounds = array<i64: 200, 4096>}, {pipeline_mode = #tpu.pipeline_mode<synchronous>, transform_indices = @transform_1, window_bounds = array<i64: 200, 2>}, {pipeline_mode = #tpu.pipeline_mode<synchronous>, transform_indices = @transform_2, window_bounds = array<i64: 200, 1>}, {pipeline_mode = #tpu.pipeline_mode<synchronous>, transform_indices = @transform_3, window_bounds = array<i64: 200, 1>}, {pipeline_mode = #tpu.pipeline_mode<synchronous>, transform_indices = @transform_4, window_bounds = array<i64: 200, 200>}, {pipeline_mode = #tpu.pipeline_mode<synchronous>, transform_indices = @transform_5, window_bounds = array<i64: 200, 1>}, {transform_indices = @transform_6, window_bounds = array<i64: 200, 4096>}, {pipeline_mode = #tpu.pipeline_mode<synchronous>, transform_indices = @transform_7, window_bounds = array<i64: 200, 2>}]} {
    %eq3A = arith.constant 0 : i32
    %eq3A_0 = arith.cmpi eq, %arg0, %eq3A : i32
    %convert_element_type3A = arith.extui %eq3A_0 : i1 to i32
    %cond3A = arith.constant 0 : i32
    %cond3A_1 = arith.cmpi ne, %convert_element_type3A, %cond3A : i32
    scf.if %cond3A_1 {
      %broadcast_in_dim3A_76 = arith.constant 0.000000e+00 : f32
      %broadcast_in_dim3A_77 = vector.broadcast %broadcast_in_dim3A_76 : f32 to vector<200x2xf32>
      %swap3A_78 = arith.constant 0 : index
      %swap3A_79 = arith.constant 0 : index
      %swap3A_80 = vector.load %arg9[%swap3A_78, %swap3A_79] : memref<200x2xf32, #tpu.memory_space<vmem>>, vector<200x2xf32>
      tpu.vector_store %arg9[%swap3A_78, %swap3A_79], %broadcast_in_dim3A_77 {strides = array<i32>} : memref<200x2xf32, #tpu.memory_space<vmem>>, vector<200x2xf32>,
    } else {
    }
    %get3A = arith.constant 0 : index
    %get3A_2 = arith.constant 0 : index
    %get3A_3 = vector.load %arg2[%get3A, %get3A_2] : memref<200x2xf32, #tpu.memory_space<vmem>>, vector<200x1xf32>
    %div3A = arith.constant 1.000000e+05 : f32
    %div3A_4 = vector.broadcast %div3A : f32 to vector<200x1xf32>
    %div3A_5 = arith.divf %get3A_3, %div3A_4 : vector<200x1xf32>
    %get3A_6 = arith.constant 0 : index
    %get3A_7 = arith.constant 1 : index
    %get3A_8 = vector.load %arg2[%get3A_6, %get3A_7] : memref<200x2xf32, #tpu.memory_space<vmem>>, vector<200x1xf32>
    %div3A_9 = arith.constant 1.000000e+05 : f32
    %div3A_10 = vector.broadcast %div3A_9 : f32 to vector<200x1xf32>
    %div3A_11 = arith.divf %get3A_8, %div3A_10 : vector<200x1xf32>
    %mul3A = arith.mulf %div3A_5, %div3A_5 : vector<200x1xf32>
    %sub3A = arith.subf %div3A_11, %mul3A : vector<200x1xf32>
    %add3A = arith.constant 9.99999974E-6 : f32
    %add3A_12 = vector.broadcast %add3A : f32 to vector<200x1xf32>
    %add3A_13 = arith.addf %sub3A, %add3A_12 : vector<200x1xf32>
    %rsqrt3A = math.rsqrt %add3A_13 : vector<200x1xf32>
    %get3A_14 = arith.constant 0 : index
    %get3A_15 = arith.constant 0 : index
    %get3A_16 = vector.load %arg3[%get3A_14, %get3A_15] : memref<200x1xf32, #tpu.memory_space<vmem>>, vector<200x1xf32>
    %mul3A_17 = arith.mulf %rsqrt3A, %get3A_16 : vector<200x1xf32>
    %get3A_18 = arith.constant 0 : index
    %get3A_19 = arith.constant 0 : index
    %get3A_20 = vector.load %arg1[%get3A_18, %get3A_19] : memref<200x4096xf32, #tpu.memory_space<vmem>>, vector<200x4096xf32>
    %sub3A_21 = vector.broadcast %div3A_5 : vector<200x1xf32> to vector<200x4096xf32>
    %sub3A_22 = arith.subf %get3A_20, %sub3A_21 : vector<200x4096xf32>
    %mul3A_23 = vector.broadcast %mul3A_17 : vector<200x1xf32> to vector<200x4096xf32>
    %mul3A_24 = arith.mulf %sub3A_22, %mul3A_23 : vector<200x4096xf32>
    %get3A_25 = arith.constant 0 : index
    %get3A_26 = arith.constant 0 : index
    %get3A_27 = vector.load %arg4[%get3A_25, %get3A_26] : memref<200x1xf32, #tpu.memory_space<vmem>>, vector<200x1xf32>
    %add3A_28 = vector.broadcast %get3A_27 : vector<200x1xf32> to vector<200x4096xf32>
    %add3A_29 = arith.addf %mul3A_24, %add3A_28 : vector<200x4096xf32>
    %max3A = arith.constant 0.000000e+00 : f32
    %max3A_30 = vector.broadcast %max3A : f32 to vector<200x4096xf32>
    %max3A_31 = arith.maximumf %add3A_29, %max3A_30 : vector<200x4096xf32>
    %iota3A = tpu.iota {dimensions = array<i32: 1>} : vector<1x4096xi32>
    %mul3A_32 = arith.constant 4096 : i32
    %mul3A_33 = arith.muli %arg0, %mul3A_32 : i32
    %add3A_34 = vector.broadcast %mul3A_33 : i32 to vector<1x4096xi32>
    %add3A_35 = arith.addi %iota3A, %add3A_34 : vector<1x4096xi32>
    %lt3A = arith.constant 100000 : i32
    %lt3A_36 = vector.broadcast %lt3A : i32 to vector<1x4096xi32>
    %lt3A_37 = arith.cmpi slt, %add3A_35, %lt3A_36 : vector<1x4096xi32>
    %jit3A = arith.constant 0.000000e+00 : f32
    %broadcast_in_dim3A = vector.shape_cast %lt3A_37 : vector<1x4096xi1> to vector<1x4096xi1>
    %broadcast_in_dim3A_38 = vector.broadcast %broadcast_in_dim3A : vector<1x4096xi1> to vector<200x4096xi1>
    %broadcast_in_dim3A_39 = vector.broadcast %jit3A : f32 to vector<200x4096xf32>
    %select_n3A = arith.select %broadcast_in_dim3A_38, %max3A_31, %broadcast_in_dim3A_39 : vector<200x4096xi1>, vector<200x4096xf32>
    %get3A_40 = arith.constant 0 : index
    %get3A_41 = arith.constant 0 : index
    %get3A_42 = vector.load %arg5[%get3A_40, %get3A_41] : memref<200x200xf32, #tpu.memory_space<vmem>>, vector<200x200xf32>
    %dot_general3A = arith.constant dense<0.000000e+00> : vector<200x4096xf32>
    %dot_general3A_43 = tpu.matmul %get3A_42, %select_n3A, %dot_general3A {dimension_numbers = #tpu.dot_dimension_numbers<[1], [0], [0], [1], [0, 0, 1, 1], [], []>, transpose_lhs_hint = false} : vector<200x200xf32>, vector<200x4096xf32>, vector<200x4096xf32> -> vector<200x4096xf32>
    %get3A_44 = arith.constant 0 : index
    %get3A_45 = arith.constant 0 : index
    %get3A_46 = vector.load %arg6[%get3A_44, %get3A_45] : memref<200x1xf32, #tpu.memory_space<vmem>>, vector<200x1xf32>
    %add3A_47 = vector.broadcast %get3A_46 : vector<200x1xf32> to vector<200x4096xf32>
    %add3A_48 = arith.addf %dot_general3A_43, %add3A_47 : vector<200x4096xf32>
    %swap3A = arith.constant 0 : index
    %swap3A_49 = arith.constant 0 : index
    %swap3A_50 = vector.load %arg7[%swap3A, %swap3A_49] : memref<200x4096xf32, #tpu.memory_space<vmem>>, vector<200x4096xf32>
    tpu.vector_store %arg7[%swap3A, %swap3A_49], %add3A_48 {strides = array<i32>} : memref<200x4096xf32, #tpu.memory_space<vmem>>, vector<200x4096xf32>,
    %get3A_51 = arith.constant 0 : index
    %get3A_52 = arith.constant 0 : index
    %get3A_53 = vector.load %arg9[%get3A_51, %get3A_52] : memref<200x2xf32, #tpu.memory_space<vmem>>, vector<200x1xf32>
    %reduce_sum3A = arith.constant dense<0.000000e+00> : vector<200xf32>
    %reduce_sum3A_54 = vector.multi_reduction <add>, %add3A_48, %reduce_sum3A [1] : vector<200x4096xf32> to vector<200xf32>
    %broadcast_in_dim3A_55 = vector.shape_cast %reduce_sum3A_54 : vector<200xf32> to vector<200x1xf32>
    %add3A_56 = arith.addf %get3A_53, %broadcast_in_dim3A_55 : vector<200x1xf32>
    %swap3A_57 = arith.constant 0 : index
    %swap3A_58 = arith.constant 0 : index
    %swap3A_59 = vector.load %arg9[%swap3A_57, %swap3A_58] : memref<200x2xf32, #tpu.memory_space<vmem>>, vector<200x1xf32>
    tpu.vector_store %arg9[%swap3A_57, %swap3A_58], %add3A_56 {strides = array<i32>} : memref<200x2xf32, #tpu.memory_space<vmem>>, vector<200x1xf32>,
    %get3A_60 = arith.constant 0 : index
    %get3A_61 = arith.constant 1 : index
    %get3A_62 = vector.load %arg9[%get3A_60, %get3A_61] : memref<200x2xf32, #tpu.memory_space<vmem>>, vector<200x1xf32>
    %mul3A_63 = arith.mulf %add3A_48, %add3A_48 : vector<200x4096xf32>
    %reduce_sum3A_64 = arith.constant dense<0.000000e+00> : vector<200xf32>
    %reduce_sum3A_65 = vector.multi_reduction <add>, %mul3A_63, %reduce_sum3A_64 [1] : vector<200x4096xf32> to vector<200xf32>
    %broadcast_in_dim3A_66 = vector.shape_cast %reduce_sum3A_65 : vector<200xf32> to vector<200x1xf32>
    %add3A_67 = arith.addf %get3A_62, %broadcast_in_dim3A_66 : vector<200x1xf32>
    %swap3A_68 = arith.constant 0 : index
    %swap3A_69 = arith.constant 1 : index
    %swap3A_70 = vector.load %arg9[%swap3A_68, %swap3A_69] : memref<200x2xf32, #tpu.memory_space<vmem>>, vector<200x1xf32>
    tpu.vector_store %arg9[%swap3A_68, %swap3A_69], %add3A_67 {strides = array<i32>} : memref<200x2xf32, #tpu.memory_space<vmem>>, vector<200x1xf32>,
    %eq3A_71 = arith.constant 24 : i32
    %eq3A_72 = arith.cmpi eq, %arg0, %eq3A_71 : i32
    %convert_element_type3A_73 = arith.extui %eq3A_72 : i1 to i32
    %cond3A_74 = arith.constant 0 : i32
    %cond3A_75 = arith.cmpi ne, %convert_element_type3A_73, %cond3A_74 : i32
    scf.if %cond3A_75 {
      %get3A_76 = arith.constant 0 : index
      %get3A_77 = arith.constant 0 : index
      %get3A_78 = vector.load %arg6[%get3A_76, %get3A_77] : memref<200x1xf32, #tpu.memory_space<vmem>>, vector<200x1xf32>
      %get3A_79 = arith.constant 0 : index
      %get3A_80 = arith.constant 0 : index
      %get3A_81 = vector.load %arg9[%get3A_79, %get3A_80] : memref<200x2xf32, #tpu.memory_space<vmem>>, vector<200x2xf32>
      %mul3A_82 = arith.mulf %get3A_78, %get3A_78 : vector<200x1xf32>
      %concatenate3A = tpu.concatenate %get3A_78, %mul3A_82 in 1 : vector<200x1xf32>, vector<200x1xf32> -> vector<200x2xf32>
      %mul3A_83 = arith.constant 2.400000e+03 : f32
      %mul3A_84 = vector.broadcast %mul3A_83 : f32 to vector<200x2xf32>
      %mul3A_85 = arith.mulf %concatenate3A, %mul3A_84 : vector<200x2xf32>
      %sub3A_86 = arith.subf %get3A_81, %mul3A_85 : vector<200x2xf32>
      %swap3A_87 = arith.constant 0 : index
      %swap3A_88 = arith.constant 0 : index
      %swap3A_89 = vector.load %arg8[%swap3A_87, %swap3A_88] : memref<200x2xf32, #tpu.memory_space<vmem>>, vector<200x2xf32>
      tpu.vector_store %arg8[%swap3A_87, %swap3A_88], %sub3A_86 {strides = array<i32>} : memref<200x2xf32, #tpu.memory_space<vmem>>, vector<200x2xf32>,
    } else {
    }
    return
  }
  func.func @transform_0(%arg0: i32) -> (i32, i32) {
    %c0_i32 = arith.constant 0 : i32
    %c0_i32_0 = arith.constant 0 : i32
    return %c0_i32, %arg0 : i32, i32
  }
  func.func @transform_1(%arg0: i32) -> (i32, i32) {
    %c0_i32 = arith.constant 0 : i32
    %c0_i32_0 = arith.constant 0 : i32
    %c0_i32_1 = arith.constant 0 : i32
    return %c0_i32, %c0_i32_0 : i32, i32
  }
  func.func @transform_2(%arg0: i32) -> (i32, i32) {
    %c0_i32 = arith.constant 0 : i32
    %c0_i32_0 = arith.constant 0 : i32
    %c0_i32_1 = arith.constant 0 : i32
    return %c0_i32, %c0_i32_0 : i32, i32
  }
  func.func @transform_3(%arg0: i32) -> (i32, i32) {
    %c0_i32 = arith.constant 0 : i32
    %c0_i32_0 = arith.constant 0 : i32
    %c0_i32_1 = arith.constant 0 : i32
    return %c0_i32, %c0_i32_0 : i32, i32
  }
  func.func @transform_4(%arg0: i32) -> (i32, i32) {
    %c0_i32 = arith.constant 0 : i32
    %c0_i32_0 = arith.constant 0 : i32
    %c0_i32_1 = arith.constant 0 : i32
    return %c0_i32, %c0_i32_0 : i32, i32
  }
  func.func @transform_5(%arg0: i32) -> (i32, i32) {
    %c0_i32 = arith.constant 0 : i32
    %c0_i32_0 = arith.constant 0 : i32
    %c0_i32_1 = arith.constant 0 : i32
    return %c0_i32, %c0_i32_0 : i32, i32
  }
  func.func @transform_6(%arg0: i32) -> (i32, i32) {
    %c0_i32 = arith.constant 0 : i32
    %c0_i32_0 = arith.constant 0 : i32
    return %c0_i32, %arg0 : i32, i32
  }
  func.func @transform_7(%arg0: i32) -> (i32, i32) {
    %c0_i32 = arith.constant 0 : i32
    %c0_i32_0 = arith.constant 0 : i32
    %c0_i32_1 = arith.constant 0 : i32
    return %c0_i32, %c0_i32_0 : i32, i32
  }
}

module attributes {stable_mosaic.version = 14 : i64} {
  func.func @kern(%arg0: i32, %arg1: memref<200x4096xf32, #tpu.memory_space<vmem>>, %arg2: memref<200x2xf32, #tpu.memory_space<vmem>>, %arg3: memref<200x1xf32, #tpu.memory_space<vmem>>, %arg4: memref<200x1xf32, #tpu.memory_space<vmem>>, %arg5: memref<1x200xf32, #tpu.memory_space<vmem>>, %arg6: memref<1x1xf32, #tpu.memory_space<vmem>>, %arg7: memref<1x4096xf32, #tpu.memory_space<vmem>>) attributes {dimension_semantics = [#tpu.dimension_semantics<arbitrary>], iteration_bounds = array<i64: 25>, scalar_prefetch = 0 : i64, scratch_operands = 0 : i64, tpu.core_type = #tpu.core_type<tc>, window_params = [{transform_indices = @transform_0, window_bounds = array<i64: 200, 4096>}, {pipeline_mode = #tpu.pipeline_mode<synchronous>, transform_indices = @transform_1, window_bounds = array<i64: 200, 2>}, {pipeline_mode = #tpu.pipeline_mode<synchronous>, transform_indices = @transform_2, window_bounds = array<i64: 200, 1>}, {pipeline_mode = #tpu.pipeline_mode<synchronous>, transform_indices = @transform_3, window_bounds = array<i64: 200, 1>}, {pipeline_mode = #tpu.pipeline_mode<synchronous>, transform_indices = @transform_4, window_bounds = array<i64: 1, 200>}, {pipeline_mode = #tpu.pipeline_mode<synchronous>, transform_indices = @transform_5, window_bounds = array<i64: 1, 1>}, {transform_indices = @transform_6, window_bounds = array<i64: 1, 4096>}]} {
    %get3A = arith.constant 0 : index
    %get3A_0 = arith.constant 0 : index
    %get3A_1 = vector.load %arg2[%get3A, %get3A_0] : memref<200x2xf32, #tpu.memory_space<vmem>>, vector<200x1xf32>
    %div3A = arith.constant 1.000000e+05 : f32
    %div3A_2 = vector.broadcast %div3A : f32 to vector<200x1xf32>
    %div3A_3 = arith.divf %get3A_1, %div3A_2 : vector<200x1xf32>
    %get3A_4 = arith.constant 0 : index
    %get3A_5 = arith.constant 1 : index
    %get3A_6 = vector.load %arg2[%get3A_4, %get3A_5] : memref<200x2xf32, #tpu.memory_space<vmem>>, vector<200x1xf32>
    %div3A_7 = arith.constant 1.000000e+05 : f32
    %div3A_8 = vector.broadcast %div3A_7 : f32 to vector<200x1xf32>
    %div3A_9 = arith.divf %get3A_6, %div3A_8 : vector<200x1xf32>
    %mul3A = arith.mulf %div3A_3, %div3A_3 : vector<200x1xf32>
    %sub3A = arith.subf %div3A_9, %mul3A : vector<200x1xf32>
    %add3A = arith.constant 9.99999974E-6 : f32
    %add3A_10 = vector.broadcast %add3A : f32 to vector<200x1xf32>
    %add3A_11 = arith.addf %sub3A, %add3A_10 : vector<200x1xf32>
    %rsqrt3A = math.rsqrt %add3A_11 : vector<200x1xf32>
    %get3A_12 = arith.constant 0 : index
    %get3A_13 = arith.constant 0 : index
    %get3A_14 = vector.load %arg3[%get3A_12, %get3A_13] : memref<200x1xf32, #tpu.memory_space<vmem>>, vector<200x1xf32>
    %mul3A_15 = arith.mulf %rsqrt3A, %get3A_14 : vector<200x1xf32>
    %get3A_16 = arith.constant 0 : index
    %get3A_17 = arith.constant 0 : index
    %get3A_18 = vector.load %arg1[%get3A_16, %get3A_17] : memref<200x4096xf32, #tpu.memory_space<vmem>>, vector<200x4096xf32>
    %sub3A_19 = vector.broadcast %div3A_3 : vector<200x1xf32> to vector<200x4096xf32>
    %sub3A_20 = arith.subf %get3A_18, %sub3A_19 : vector<200x4096xf32>
    %mul3A_21 = vector.broadcast %mul3A_15 : vector<200x1xf32> to vector<200x4096xf32>
    %mul3A_22 = arith.mulf %sub3A_20, %mul3A_21 : vector<200x4096xf32>
    %get3A_23 = arith.constant 0 : index
    %get3A_24 = arith.constant 0 : index
    %get3A_25 = vector.load %arg4[%get3A_23, %get3A_24] : memref<200x1xf32, #tpu.memory_space<vmem>>, vector<200x1xf32>
    %add3A_26 = vector.broadcast %get3A_25 : vector<200x1xf32> to vector<200x4096xf32>
    %add3A_27 = arith.addf %mul3A_22, %add3A_26 : vector<200x4096xf32>
    %max3A = arith.constant 0.000000e+00 : f32
    %max3A_28 = vector.broadcast %max3A : f32 to vector<200x4096xf32>
    %max3A_29 = arith.maximumf %add3A_27, %max3A_28 : vector<200x4096xf32>
    %get3A_30 = arith.constant 0 : index
    %get3A_31 = arith.constant 0 : index
    %get3A_32 = vector.load %arg5[%get3A_30, %get3A_31] : memref<1x200xf32, #tpu.memory_space<vmem>>, vector<1x200xf32>
    %dot_general3A = arith.constant dense<0.000000e+00> : vector<1x4096xf32>
    %dot_general3A_33 = tpu.matmul %get3A_32, %max3A_29, %dot_general3A {dimension_numbers = #tpu.dot_dimension_numbers<[1], [0], [0], [1], [0, 0, 1, 1], [], []>, transpose_lhs_hint = false} : vector<1x200xf32>, vector<200x4096xf32>, vector<1x4096xf32> -> vector<1x4096xf32>
    %get3A_34 = arith.constant 0 : index
    %get3A_35 = arith.constant 0 : index
    %get3A_36 = vector.load %arg6[%get3A_34, %get3A_35] : memref<1x1xf32, #tpu.memory_space<vmem>>, vector<1x1xf32>
    %add3A_37 = vector.broadcast %get3A_36 : vector<1x1xf32> to vector<1x4096xf32>
    %add3A_38 = arith.addf %dot_general3A_33, %add3A_37 : vector<1x4096xf32>
    %logistic3A = arith.negf %add3A_38 : vector<1x4096xf32>
    %logistic3A_39 = math.exp %logistic3A : vector<1x4096xf32>
    %logistic3A_40 = arith.constant 1.000000e+00 : f32
    %logistic3A_41 = vector.broadcast %logistic3A_40 : f32 to vector<1x4096xf32>
    %logistic3A_42 = arith.addf %logistic3A_41, %logistic3A_39 : vector<1x4096xf32>
    %logistic3A_43 = arith.divf %logistic3A_41, %logistic3A_42 : vector<1x4096xf32>
    %swap3A = arith.constant 0 : index
    %swap3A_44 = arith.constant 0 : index
    %swap3A_45 = vector.load %arg7[%swap3A, %swap3A_44] : memref<1x4096xf32, #tpu.memory_space<vmem>>, vector<1x4096xf32>
    tpu.vector_store %arg7[%swap3A, %swap3A_44], %logistic3A_43 {strides = array<i32>} : memref<1x4096xf32, #tpu.memory_space<vmem>>, vector<1x4096xf32>,
    return
  }
  func.func @transform_0(%arg0: i32) -> (i32, i32) {
    %c0_i32 = arith.constant 0 : i32
    %c0_i32_0 = arith.constant 0 : i32
    return %c0_i32, %arg0 : i32, i32
  }
  func.func @transform_1(%arg0: i32) -> (i32, i32) {
    %c0_i32 = arith.constant 0 : i32
    %c0_i32_0 = arith.constant 0 : i32
    %c0_i32_1 = arith.constant 0 : i32
    return %c0_i32, %c0_i32_0 : i32, i32
  }
  func.func @transform_2(%arg0: i32) -> (i32, i32) {
    %c0_i32 = arith.constant 0 : i32
    %c0_i32_0 = arith.constant 0 : i32
    %c0_i32_1 = arith.constant 0 : i32
    return %c0_i32, %c0_i32_0 : i32, i32
  }
  func.func @transform_3(%arg0: i32) -> (i32, i32) {
    %c0_i32 = arith.constant 0 : i32
    %c0_i32_0 = arith.constant 0 : i32
    %c0_i32_1 = arith.constant 0 : i32
    return %c0_i32, %c0_i32_0 : i32, i32
  }
  func.func @transform_4(%arg0: i32) -> (i32, i32) {
    %c0_i32 = arith.constant 0 : i32
    %c0_i32_0 = arith.constant 0 : i32
    %c0_i32_1 = arith.constant 0 : i32
    return %c0_i32, %c0_i32_0 : i32, i32
  }
  func.func @transform_5(%arg0: i32) -> (i32, i32) {
    %c0_i32 = arith.constant 0 : i32
    %c0_i32_0 = arith.constant 0 : i32
    %c0_i32_1 = arith.constant 0 : i32
    return %c0_i32, %c0_i32_0 : i32, i32
  }
  func.func @transform_6(%arg0: i32) -> (i32, i32) {
    %c0_i32 = arith.constant 0 : i32
    %c0_i32_0 = arith.constant 0 : i32
    return %c0_i32, %arg0 : i32, i32
  }
}

</mosaic_0001>

<sc_bundles>
// kernel: kernel.11.cloned.1.call-start
scs
__scs_entry_jumppad:
0x0: {  	(pc) =	sbr.rel $0x88, $3  }
0x1: {  	(tag) =	ssettag $0x0;
	lr =	simm.s32 $0x1  }
0x2: {  	[smem:$0x3F93] =	sst lr;
	_ =	strace $0xD0000000  }
0x3: {  	_ = 	snop  }
0x4: {  	_ = 	snop  }
0x5: {  	_ = 	snop  }
0x6: {  	_ = 	snop  }
0x7: {  	_ = 	snop  }
__scs_overlays_trampoline_lowered:
0x8: {  	[smem:$0x3FA2] =	sst s0  }
0x9: {  	[smem:$0x3FA3] =	sst s1  }
0xa: {  	[smem:$0x3FA4] =	sst s2  }
0xb: {  	[smem:$0x3FA5] =	sst s3  }
0xc: {  	[smem:$0x3FA6] =	sst s4  }
0xd: {  	[smem:$0x3FA7] =	sst s5  }
0xe: {  	[smem:$0x3FA8] =	sst s6  }
0xf: {  	[smem:$0x3FA9] =	sst s7  }
0x10: {  	[smem:$0x3FAA] =	sst s8  }
0x11: {  	[smem:$0x3FAB] =	sst s9;
	s0 =	simm.s32 @!p0 $0x0  }
0x12: {  	s1 =	sld [smem:$0x3F91];
	s0 =	simm.s32 @p0 $0x1  }
0x13: {  	[smem:$0x3FAC] =	sst s0;
	s0 =	simm.s32 @!p1 $0x0  }
0x14: {  	s2 =	sld [smem:$0x3F90];
	s0 =	simm.s32 @p1 $0x1  }
0x15: {  	[smem:$0x3FAD] =	sst s0;
	s0 =	simm.s32 @!p2 $0x0  }
0x16: {  	s3 =	sld [smem:$0x3FDB];
	s0 =	simm.s32 @p2 $0x1  }
0x17: {  	s4 =	simm.s32 $0x1BF5;
	[smem:$0x3FAF] =	sst s0  }
0x18: {  	s0 =	sld [smem:$0x3F92];
	_ =	swait.ge [sflag:s4], $0x0  }
0x19: {  	s7 =	sld [smem:$0x3F93]  }
0x1a: {  	s8 =	sadd.s32 $0xFFFFE003, lr  }
0x1b: {  	s9 =	sadd.s32 $0xFFFFFEF7, lr;
	s5 =	simm.s32 $0xFFFFFFFF;
	p2 =	slt.u32 s8, $0xFFFFF086  }
0x1c: {  	p1 =	slt.u32 s9, $0xF7A;
	s5 =	simm.s32 @!p2 $0x0  }
0x1d: {  	s5 =	simm.s32 @p1 $0x1;
	p0 =	seq.s32 s7, s2  }
0x1e: {  	s7 =	smul.u32 @!p0 $0xF7A, s2;
	p2 =	seq.s32 @!p0 s5, $0x0  }
0x1f: {  	s9 =	smul.u32 $0xF7A, s1;
	s8 =	simm.s32 @!p0 $0x1BF5;
	p2 =	por !p2, p0  }
0x20: {  	[sflag:s8] =	ssyncset.s32 @!p0 $0xFFFFF086;
	s6 =	sadd.s32 @!p0 s3, s7;
	s7 =	simm.s32 @!p0 $0x108  }
0x21: {  	s3 =	sadd.s32 s3, s9;
	s6 =	sadd.s32 @!p0 $0x88, s6;
	s7 =	simm.s32 @p2 $0x1082  }
0x22: {  	[simem:s7], [sflag:s8] =	dma.local @!p0 [hbm:s6], $0xF7A  }
0x23: {  	s9 =	sor.u32 $0xD0000000, s2;
	s6 =	simm.s32 $0x108;
	_ =	swait.ge @!p0 [sflag:s8], $0x0  }
0x24: {  	s3 =	sadd.s32 $0x88, s3;
	s6 =	simm.s32 @!p1 $0x1082;
	[sflag:s4] =	ssyncset.s32 $0xFFFFF086  }
0x25: {  	[simem:s6], [sflag:s4] =	dma.local [hbm:s3], $0xF7A  }
0x26: {  	[smem:$0x3F93] =	sst s1;
	(tag) =	ssettag s2;
	_ =	strace s9  }
0x27: {  	s1 =	sld [smem:$0x3FA3]  }
0x28: {  	s2 =	sld [smem:$0x3FA4]  }
0x29: {  	s4 =	sld [smem:$0x3FA6]  }
0x2a: {  	p0 =	seq.s32 s5, $0x0;
	s5 =	sld [smem:$0x3FA7]  }
0x2b: {  	s6 =	sld [smem:$0x3FA8]  }
0x2c: {  	s7 =	sld [smem:$0x3FA9]  }
0x2d: {  	s3 =	simm.s32 $0x108;
	s8 =	sld [smem:$0x3FAA]  }
0x2e: {  	s3 =	simm.s32 @!p0 $0x1082;
	s9 =	sld [smem:$0x3FAB]  }
0x2f: {  	lr =	sadd.s32 s0, s3;
	s0 =	sld [smem:$0x3FA2]  }
0x30: {  	s3 =	sld [smem:$0x3FA5]  }
0x31: {  	[smem:$0x3FAE] =	sst s10  }
0x32: {  	s10 =	sld [smem:$0x3FAC];
	_ =	sdelay $0x3  }
0x33: {  	p0 =	seq.s32 s10, $0x1;
	s10 =	sld [smem:$0x3FAE];
	_ =	sdelay $0x3  }
0x34: {  	[smem:$0x3FAE] =	sst s10  }
0x35: {  	s10 =	sld [smem:$0x3FAD];
	_ =	sdelay $0x3  }
0x36: {  	p1 =	seq.s32 s10, $0x1;
	s10 =	sld [smem:$0x3FAE];
	_ =	sdelay $0x3  }
0x37: {  	[smem:$0x3FAE] =	sst s10  }
0x38: {  	s10 =	sld [smem:$0x3FAF]  }
0x39: {  	_ = 	snop;
	(pc) =	sbr.ind lr, $3  }
0x3a: {  	_ = 	snop  }
0x3b: {  	_ = 	snop  }
0x3c: {  	p2 =	seq.s32 s10, $0x1;
	s10 =	sld [smem:$0x3FAE]  }
0x3d: {  	_ =	shalt  }
0x3e: {  	_ =	shalt  }
0x3f: {  	_ =	shalt  }
0x40: {  	_ =	shalt  }
0x41: {  	_ =	shalt  }
0x42: {  	_ =	shalt  }
0x43: {  	_ =	shalt  }
0x44: {  	_ =	shalt  }
0x45: {  	_ =	shalt  }
0x46: {  	_ =	shalt  }
0x47: {  	_ =	shalt  }
0x48: {  	_ =	shalt  }
0x49: {  	_ =	shalt  }
0x4a: {  	_ =	shalt  }
0x4b: {  	_ =	shalt  }
0x4c: {  	_ =	shalt  }
0x4d: {  	_ =	shalt  }
0x4e: {  	_ =	shalt  }
0x4f: {  	_ =	shalt  }
0x50: {  	_ =	shalt  }
0x51: {  	_ =	shalt  }
0x52: {  	_ =	shalt  }
0x53: {  	_ =	shalt  }
0x54: {  	_ =	shalt  }
0x55: {  	_ =	shalt  }
0x56: {  	_ =	shalt  }
0x57: {  	_ =	shalt  }
0x58: {  	_ =	shalt  }
0x59: {  	_ =	shalt  }
0x5a: {  	_ =	shalt  }
0x5b: {  	_ =	shalt  }
0x5c: {  	_ =	shalt  }
0x5d: {  	_ =	shalt  }
0x5e: {  	_ =	shalt  }
0x5f: {  	_ =	shalt  }
0x60: {  	_ =	shalt  }
0x61: {  	_ =	shalt  }
0x62: {  	_ =	shalt  }
0x63: {  	_ =	shalt  }
0x64: {  	_ =	shalt  }
0x65: {  	_ =	shalt  }
0x66: {  	_ =	shalt  }
0x67: {  	_ =	shalt  }
0x68: {  	_ =	shalt  }
0x69: {  	_ =	shalt  }
0x6a: {  	_ =	shalt  }
0x6b: {  	_ =	shalt  }
0x6c: {  	_ =	shalt  }
0x6d: {  	_ =	shalt  }
0x6e: {  	_ =	shalt  }
0x6f: {  	_ =	shalt  }
0x70: {  	_ =	shalt  }
0x71: {  	_ =	shalt  }
0x72: {  	_ =	shalt  }
0x73: {  	_ =	shalt  }
0x74: {  	_ =	shalt  }
0x75: {  	_ =	shalt  }
0x76: {  	_ =	shalt  }
0x77: {  	_ =	shalt  }
0x78: {  	_ =	shalt  }
0x79: {  	_ =	shalt  }
0x7a: {  	_ =	shalt  }
0x7b: {  	_ =	shalt  }
0x7c: {  	_ =	shalt  }
0x7d: {  	_ =	shalt  }
0x7e: {  	_ =	shalt  }
0x7f: {  	_ =	shalt  }
0x80: {  	_ =	shalt  }
0x81: {  	_ =	shalt  }
0x82: {  	_ =	shalt  }
0x83: {  	_ =	shalt  }
0x84: {  	_ =	shalt  }
0x85: {  	_ =	shalt  }
0x86: {  	_ =	shalt  }
0x87: {  	_ =	shalt  }
.Lfunc_end0:
.L_simem_size_0:
called_computation_lowered:
.L_overlay_start_0:
0x88: {  	s2 =	sld [smem:$0x3FD9]  }
0x89: {  	s3 =	sld [smem:$0x3FFE];
	_ =	sdelay $0x1  }
0x8a: {  	s1 =	srdreg.scid  }
0x8b: {  	s0 =	sand.u32 $0x1, s1  }
0x8c: {  	s16 =	sshll.u32 s0, $0xA;
	s2 =	sadd.s32 s3, s2  }
0x8d: {  	s2 =	sadd.s32 s2, s16  }
0x8e: {  	[smem:$0x3FBA] =	sst s2  }
0x8f: {  	_ = 	snop  }
0x90: {  	(tm) =	ssettm $0x1  }
0x91: {  	s17 =	sld [smem:$0x3FFB];
	_ =	sdelay $0x3  }
0x92: {  	_ =	strace s17  }
0x93: {  	s2 =	sld [smem:$0x3FFC];
	_ =	sdelay $0x3  }
0x94: {  	_ =	strace s2  }
0x95: {  	s2 =	sld [smem:$0x3FFD];
	_ =	sdelay $0x3  }
0x96: {  	_ =	strace s2  }
0x97: {  	_ =	strace $0x8FFFFFFF  }
0x98: {  	s18 =	sld [smem:$0x3FDB];
	_ =	sdelay $0x1  }
0x99: {  	s19 =	simm.s32 $_scs_section_size  }
0x9a: {  	s4 =	simm.s32 $_size__tile_overlayer_lowered;
	s5 =	simm.s32 $_tile_overlayer_lowered  }
0x9b: {  	s22 =	simm.s32 $0x1BFF;
	s21 =	sshll.u32 s5, $0x1;
	s2 =	sadd.s32 s19, s18  }
0x9c: {  	s6 =	simm.s32 $0x0;
	s20 =	sshll.u32 s4, $0x1;
	s4 =	sadd.s32 s21, s2  }
0x9d: {  	[timem:s6], [sflag:s22] =	dma.local [hbm:s4], s20  }
0x9e: {  	_ =	swait.ge [sflag:s22], s20  }
0x9f: {  	s3 =	ssub.s32 $0x0, s20;
	[sflag:s22] =	ssyncset.done $0x0  }
0xa0: {  	[sflag:s22] =	ssyncadd.s32 s3;
	_ =	sdelay $0x1  }
0xa1: {  	s23 =	simm.s32 $0x1B8B  }
0xa2: {  	_ =	swait.ge [sflag:s23], $0x1  }
0xa3: {  	[sflag:s23] =	ssyncset.done $0x0  }
0xa4: {  	s25 =	simm.s32 $0x1B8E;
	s24 =	sld [smem:$0x3FFE];
	[sflag:s23] =	ssyncadd.s32 $0xFFFFFFFF  }
0xa5: {  	s26 =	simm.s32 $execute0_lowered;
	[smem:$0x3FD2] =	sst s25  }
0xa6: {  	s4 =	sshll.u32 s26, $0x1;
	_ =	strace $0x80000046;
	[dreg:$0x1] =	wrdreg $0xFFFFFFFF  }
0xa7: {  	s28 =	simm.s32 $_size_execute0_lowered;
	s2 =	sadd.s32 s2, s4;
	[dreg:$0x0] =	wrdreg $0x0  }
0xa8: {  	s4 =	sshll.u32 s28, $0x1;
	[dreg:$0x2] =	wrdreg s2  }
0xa9: {  	[dreg:$0x3] =	wrdreg s4  }
0xaa: {  	[dreg:$0x4] =	wrdreg $0xC0  }
0xab: {  	_ =	task [dreg:s6], $0x5FFFF  }
0xac: {  	[dreg:$0x1] =	wrdreg $0xFFFFFFFF  }
0xad: {  	[dreg:$0x0] =	wrdreg $0x60  }
0xae: {  	[dreg:$0x2] =	wrdreg s24  }
0xaf: {  	[dreg:$0x3] =	wrdreg $0x12C000  }
0xb0: {  	[dreg:$0x4] =	wrdreg $0x145000  }
0xb1: {  	[dreg:$0x5] =	wrdreg $0x9  }
0xb2: {  	_ =	task.clear_ibuf [dreg:s6], $0x6FFFF;
	_ =	strace $0x90000046  }
0xb3: {  	s29 =	simm.s32 $0x9;
	_ =	strace $0x80000048  }
0xb4: {  	_ =	swait.ge [sflag:s29], $0x1  }
0xb5: {  	[sflag:s29] =	ssyncadd.s32 $0xFFFFFFFF  }
0xb6: {  	_ =	strace $0x90000048  }
0xb7: {  	_ =	sfence  }
0xb8: {  	s30 =	sld [smem:$0x0];
	_ =	sdelay $0x2  }
0xb9: {  	s31 =	sshll.u32 s1, $0xD;
	s1 =	sshrl.u32 s1, $0x2  }
0xba: {  	s3 =	sand.u32 $0x4000, s31;
	s1 =	sadd.s32 s1, s30  }
0xbb: {  	s0 =	sor.u32 s3, s0;
	s1 =	sshll.u32 s1, $0x11  }
0xbc: {  	s0 =	sor.u32 s1, s0  }
0xbd: {  	s0 =	sadd.s32 $0x8F2B, s0  }
0xbe: {  	[sflag:s0] =	ssyncadd.remote.s32 $0x1  }
0xbf: {  	_ =	sfence.sel $0xFFFF  }
0xc0: {  	[dreg:$0x0] =	wrdreg $0xFFFFFFFF;
	(pc) =	sbr.abs _section_cstart, $3  }
0xc1: {  	[dreg:$0x1] =	wrdreg $0xFFFFFFFF  }
0xc2: {  	_ =	task.clear_ibuf [dreg:s6], $0x2FFFF;
	_ =	strace $0x9FFFFFFF  }
0xc3: {  	(tm) =	ssettm $0x7FFFFFFF  }
tec
execute0_lowered:
.L_overlay_start_1:
0x0: {  	(tag) =	ssettag $0x1  }
0x1: {  	s0 =	rddreg [dreg:$0x0]  }
0x2: {  	s2 =	rddreg [dreg:$0x1];
	s11 =	stileid.u32  }
0x3: {  	s3 =	rddreg [dreg:$0x2];
	s4 =	simm.s32 $0x0;
	s5 =	srdreg.scid  }
0x4: {  	s16 =	simm.s32 $0x193600;
	s17 =	simm.s32 $0x7;
	s19 =	simm.s32 $0xC800  }
0x5: {  	s20 =	simm.s32 $0xFA00;
	s21 =	simm.s32 $0x6400;
	s28 =	simm.s32 $0x2  }
0x6: {  	s29 =	simm.s32 $0x3;
	s30 =	simm.s32 $0x4;
	s31 =	simm.s32 $0x0  }
0x7: {  	s1 =	smul.u32 $0x1900, s11;
	[smem:$0x7FF] =	sst s4;
	s13 =	sand.u32 $0x1, s5  }
0x8: {  	s5 =	sadd.s32 $0xC6A00, s0;
	s6 =	sadd.s32 $0x3400, s0;
	s7 =	sadd.s32 $0x18D200, s0  }
0x9: {  	_ =	strace $0x80000047;
	s8 =	ssub.s32 $0x2, s13;
	s9 =	sshll.u32 s13, $0x4  }
0xa: {  	s10 =	sshrl.u32 s1, $0x3;
	s22 =	sshrl.u32 s8, $0x1;
	s14 =	sadd.s32 s1, s2  }
0xb: {  	s1 =	sadd.s32 s1, s3;
	s12 =	sadd.s32 s10, s0;
	s0 =	ssub.s32 s8, s22  }
0xc: {  	s8 =	sor.u32 s11, s9;
	s11 =	sshll.u32 s11, $0x6;
	s9 =	simm.s32 $0x10  }
0xd: {  	s10 =	sadd.s32 s7, s10;
	s26 =	sshrl.u32 s14, $0x3;
	s18 =	sshrl.u32 s1, $0x3  }
0xe: {  	s22 =	simm.s32 $0x9600;
	p0 =	slt.u32 s8, $0x14;
	s15 =	sadd.s32 $0x18A000, s12  }
0xf: {  	s11 =	sor.u32 $0x1C07, s11;
	s23 =	smul.u32 $0x640, s8;
	[dreg:$0x5] =	wrdreg s10  }
0x10: {  	s0 =	smax.u32 s0, $0x1;
	[dreg:$0x9] =	wrdreg s26;
	s26 =	simm.s32 $0x1  }
0x11: {  	[dreg:$0x4] =	wrdreg s15;
	s9 =	simm.s32 @!p0 $0xF;
	p0 =	seq.s32 s13, $0x1  }
0x12: {  	[dreg:$0x7] =	wrdreg s0;
	s16 =	simm.s32 @!p0 $0x190400;
	s24 =	sadd.s32 s6, s23  }
0x13: {  	s23 =	simm.s32 $0x3200;
	[dreg:$0x6] =	wrdreg s24;
	s25 =	sadd.s32 s16, s12  }
0x14: {  	s24 =	simm.s32 $0x5;
	[dreg:$0x8] =	wrdreg s25;
	s25 =	simm.s32 $0x6  }
.LBB2_1:
0x15: {  	s0 =	rddreg [dreg:$0x4]  }
0x16: {  	s1 =	rddreg [dreg:$0x9]  }
0x17: {  	[spmem:s1], [sflag:s11] =	dma.local [hbm:s0], $0x320  }
0x18: {  	_ =	swait.ge [sflag:s17], $0x320  }
0x19: {  	[sflag:s17] =	ssyncset.done $0x0  }
0x1a: {  	s14 =	rddreg [dreg:$0x5];
	[sflag:s17] =	ssyncadd.s32 $0xFFFFFCE0  }
0x1b: {  	[spmem:s18], [sflag:s11] =	dma.local [hbm:s14], $0x320  }
0x1c: {  	_ =	swait.ge [sflag:s17], $0x320  }
0x1d: {  	[sflag:s17] =	ssyncset.done $0x0  }
0x1e: {  	[sflag:s17] =	ssyncadd.s32 $0xFFFFFCE0  }
0x1f: {  	[bflag:$0x0] =	sbarrier.arrive $0xFFFF  }
0x20: {  	[tilespmem:s19], [sflag:$0x7] =	stream.linear.gather [hbm4b:s7+s4], $0x3200, $0x38;
	[tilespmem:$0x15E00] =	vst v63  }
0x21: {  	_ =	swait.ge [sflag:s17], $0x3200  }
0x22: {  	[sflag:s17] =	ssyncset.done $0x0  }
0x23: {  	[sflag:s17] =	ssyncadd.s32 $0xFFFFCE00  }
0x24: {  	[tilespmem:s20], [sflag:$0x7] =	stream.linear.gather [hbm4b:s7+s4], $0x3200, $0x38;
	[tilespmem:$0x15E00] =	vst v63  }
0x25: {  	_ =	swait.ge [sflag:s17], $0x3200  }
0x26: {  	[sflag:s17] =	ssyncset.done $0x0  }
0x27: {  	s15 =	rddreg [dreg:$0x6];
	[sflag:s17] =	ssyncadd.s32 $0xFFFFCE00  }
0x28: {  	[tilespmem:s21], [sflag:$0x7] =	stream.linear.gather [hbm4b:s15+s4], $0x3200, $0x38;
	[tilespmem:$0x15E00] =	vst v63  }
0x29: {  	_ =	swait.ge [sflag:s17], $0x3200  }
0x2a: {  	[sflag:s17] =	ssyncset.done $0x0  }
0x2b: {  	[sflag:s17] =	ssyncadd.s32 $0xFFFFCE00  }
0x2c: {  	[tilespmem:s22], [sflag:$0x7] =	stream.linear.gather [hbm4b:s15+s4], $0x3200, $0x38;
	[tilespmem:$0x15E00] =	vst v63  }
0x2d: {  	_ =	swait.ge [sflag:s17], $0x3200  }
0x2e: {  	p0 =	sgt.u32 s9, $0x0;
	s0 =	simm.s32 $0x0;
	[sflag:s17] =	ssyncset.done $0x0  }
0x2f: {  	s0 =	simm.s32 @!p0 $0x0;
	[sflag:s17] =	ssyncadd.s32 $0xFFFFCE00  }
0x30: {  	[spmem:s3] =	stream.indirect.scatter.add.f32 [tilespmem:s19], [sflag:$0x5], $0x1, s21, s23, $0xb8;
	[tilespmem:$0x15E00] =	vst v63  }
0x31: {  	s0 =	sor.u32 s8, s0  }
0x32: {  	[spmem:s3] =	stream.indirect.scatter.add.f32 [tilespmem:s20], [sflag:$0x6], $0x1, s22, s23, $0xb8;
	[tilespmem:$0x15E00] =	vst v63  }
0x33: {  	s0 =	smul.u32 $0x640, s0;
	_ =	swait.ge [sflag:s24], $0x3200  }
0x34: {  	p1 =	sgt.u32 s9, $0x1;
	s1 =	simm.s32 $0x20;
	[sflag:s24] =	ssyncset.done $0x0  }
0x35: {  	s1 =	simm.s32 @!p1 $0x0;
	s10 =	sadd.s32 s5, s0;
	[sflag:s24] =	ssyncadd.s32 $0xFFFFCE00  }
0x36: {  	[tilespmem:s4], [sflag:$0x1] =	stream.linear.gather [hbm4b:s10+s4], $0x3200, $0x38;
	[tilespmem:$0x15E00] =	vst v63  }
0x37: {  	s1 =	sor.u32 s8, s1;
	s0 =	sadd.s32 s6, s0  }
0x38: {  	[tilespmem:s21], [sflag:$0x1] =	stream.linear.gather [hbm4b:s0+s4], $0x3200, $0x38;
	[tilespmem:$0x15E00] =	vst v63  }
0x39: {  	s16 =	smul.u32 $0x640, s1;
	_ =	swait.ge [sflag:s25], $0x3200  }
0x3a: {  	[sflag:s25] =	ssyncset.done $0x0  }
0x3b: {  	s1 =	sadd.s32 s5, s16;
	[sflag:s25] =	ssyncadd.s32 $0xFFFFCE00  }
0x3c: {  	[tilespmem:s23], [sflag:$0x2] =	stream.linear.gather [hbm4b:s1+s4], $0x3200, $0x38;
	[tilespmem:$0x15E00] =	vst v63  }
0x3d: {  	s0 =	sadd.s32 s6, s16  }
0x3e: {  	[tilespmem:s22], [sflag:$0x2] =	stream.linear.gather [hbm4b:s0+s4], $0x3200, $0x38;
	[tilespmem:$0x15E00] =	vst v63  }
0x3f: {  	_ =	swait.ge [sflag:s26], $0x3200  }
0x40: {  	[sflag:s26] =	ssyncset.done $0x0  }
0x41: {  	[sflag:s26] =	ssyncadd.s32 $0xFFFFCE00  }
0x42: {  	_ =	swait.ge [sflag:s26], $0x3200  }
0x43: {  	[sflag:s26] =	ssyncset.done $0x0  }
0x44: {  	[sflag:s26] =	ssyncadd.s32 $0xFFFFCE00  }
0x45: {  	[tilespmem:s19], [sflag:$0x3] =	stream.indirect.gather [spmem:s2], $0x1, s4, s23, $0xb8;
	[tilespmem:$0x15E00] =	vst v63  }
0x46: {  	_ =	swait.ge [sflag:s28], $0x3200  }
0x47: {  	[sflag:s28] =	ssyncset.done $0x0  }
0x48: {  	[sflag:s28] =	ssyncadd.s32 $0xFFFFCE00  }
0x49: {  	_ =	swait.ge [sflag:s28], $0x3200  }
0x4a: {  	[sflag:s28] =	ssyncset.done $0x0  }
0x4b: {  	[sflag:s28] =	ssyncadd.s32 $0xFFFFCE00  }
0x4c: {  	[tilespmem:s20], [sflag:$0x4] =	stream.indirect.gather [spmem:s2], $0x1, s23, s23, $0xb8;
	[tilespmem:$0x15E00] =	vst v63  }
0x4d: {  	_ =	swait.ge [sflag:s29], $0x3200  }
0x4e: {  	s10 =	simm.s32 @!p0 $0xC800;
	[sflag:s29] =	ssyncset.done $0x0  }
0x4f: {  	s1 =	simm.s32 @!p0 $0x0;
	s0 =	simm.s32 @!p0 $0x7;
	[sflag:s29] =	ssyncadd.s32 $0xFFFFCE00  }
0x50: {  	[tilespmem:s10], [sflag:$0x7] =	stream.linear.gather @!p0 [hbm4b:s7+s1], $0x3200, $0x38;
	[tilespmem:$0x15E00] =	vst v63  }
0x51: {  	s12 =	simm.s32 @!p1 $0x7;
	_ =	swait.ge @!p0 [sflag:s0], $0x3200  }
0x52: {  	s14 =	simm.s32 $0x40;
	s1 =	simm.s32 $0x2;
	[sflag:s0] =	ssyncset.done @!p0 $0x0  }
0x53: {  	[sflag:s0] =	ssyncadd.s32 @!p0 $0xFFFFCE00;
	p0 =	sgt.u32 s9, $0x2;
	s0 =	simm.s32 $0x40  }
0x54: {  	[spmem:s3] =	stream.indirect.scatter.add.f32 [tilespmem:s19], [sflag:$0x5], $0x1, s21, s23, $0xb8;
	[tilespmem:$0x15E00] =	vst v63  }
0x55: {  	s10 =	simm.s32 $0x4;
	s0 =	simm.s32 @!p0 $0x0;
	_ =	swait.ge [sflag:s30], $0x3200  }
.LBB2_2:
0x56: {  	s0 =	sor.u32 s8, s0  }
0x57: {  	[sflag:s30] =	ssyncset.done $0x0;
	s15 =	simm.s32 @!p1 $0xFA00;
	s16 =	smov.u32 s10  }
0x58: {  	s13 =	simm.s32 @!p1 $0x0;
	s0 =	smul.u32 $0x640, s0;
	[sflag:s30] =	ssyncadd.s32 $0xFFFFCE00  }
0x59: {  	[tilespmem:s15], [sflag:$0x7] =	stream.linear.gather @!p1 [hbm4b:s7+s13], $0x3200, $0x38;
	[tilespmem:$0x15E00] =	vst v63  }
0x5a: {  	s10 =	sadd.s32 $0x2, s10;
	s13 =	sadd.s32 s5, s0;
	_ =	swait.ge @!p1 [sflag:s12], $0x3200  }
0x5b: {  	p2 =	sne.s32 s10, $0x10;
	[sflag:s12] =	ssyncset.done @!p1 $0x0  }
0x5c: {  	s15 =	sadd.s32 $0x1, s1;
	s1 =	smov.u32 s16;
	[sflag:s12] =	ssyncadd.s32 @!p1 $0xFFFFCE00  }
0x5d: {  	[spmem:s3] =	stream.indirect.scatter.add.f32 [tilespmem:s20], [sflag:$0x6], $0x1, s22, s23, $0xb8;
	[tilespmem:$0x15E00] =	vst v63  }
0x5e: {  	_ =	swait.ge [sflag:s24], $0x3200  }
0x5f: {  	p1 =	slt.u32 s15, s9;
	s12 =	sadd.s32 $0x20, s14;
	[sflag:s24] =	ssyncset.done $0x0  }
0x60: {  	s12 =	simm.s32 @!p1 $0x0;
	[sflag:s24] =	ssyncadd.s32 $0xFFFFCE00  }
0x61: {  	[tilespmem:s4], [sflag:$0x1] =	stream.linear.gather [hbm4b:s13+s4], $0x3200, $0x38;
	[tilespmem:$0x15E00] =	vst v63  }
0x62: {  	s0 =	sadd.s32 s6, s0;
	s12 =	sor.u32 s8, s12  }
0x63: {  	[tilespmem:s21], [sflag:$0x1] =	stream.linear.gather [hbm4b:s0+s4], $0x3200, $0x38;
	[tilespmem:$0x15E00] =	vst v63  }
0x64: {  	s0 =	smul.u32 $0x640, s12;
	_ =	swait.ge [sflag:s25], $0x3200  }
0x65: {  	[sflag:s25] =	ssyncset.done $0x0  }
0x66: {  	s12 =	sadd.s32 s5, s0;
	[sflag:s25] =	ssyncadd.s32 $0xFFFFCE00  }
0x67: {  	[tilespmem:s23], [sflag:$0x2] =	stream.linear.gather [hbm4b:s12+s4], $0x3200, $0x38;
	[tilespmem:$0x15E00] =	vst v63  }
0x68: {  	s0 =	sadd.s32 s6, s0  }
0x69: {  	[tilespmem:s22], [sflag:$0x2] =	stream.linear.gather [hbm4b:s0+s4], $0x3200, $0x38;
	[tilespmem:$0x15E00] =	vst v63  }
0x6a: {  	_ =	swait.ge [sflag:s26], $0x3200  }
0x6b: {  	[sflag:s26] =	ssyncset.done $0x0  }
0x6c: {  	[sflag:s26] =	ssyncadd.s32 $0xFFFFCE00  }
0x6d: {  	_ =	swait.ge [sflag:s26], $0x3200  }
0x6e: {  	[sflag:s26] =	ssyncset.done $0x0  }
0x6f: {  	[sflag:s26] =	ssyncadd.s32 $0xFFFFCE00  }
0x70: {  	[tilespmem:s19], [sflag:$0x3] =	stream.indirect.gather [spmem:s2], $0x1, s4, s23, $0xb8;
	[tilespmem:$0x15E00] =	vst v63  }
0x71: {  	_ =	swait.ge [sflag:s28], $0x3200  }
0x72: {  	[sflag:s28] =	ssyncset.done $0x0  }
0x73: {  	[sflag:s28] =	ssyncadd.s32 $0xFFFFCE00  }
0x74: {  	_ =	swait.ge [sflag:s28], $0x3200  }
0x75: {  	[sflag:s28] =	ssyncset.done $0x0  }
0x76: {  	[sflag:s28] =	ssyncadd.s32 $0xFFFFCE00  }
0x77: {  	[tilespmem:s20], [sflag:$0x4] =	stream.indirect.gather [spmem:s2], $0x1, s23, s23, $0xb8;
	[tilespmem:$0x15E00] =	vst v63  }
0x78: {  	_ =	swait.ge [sflag:s29], $0x3200  }
0x79: {  	s0 =	simm.s32 @!p0 $0x7;
	[sflag:s29] =	ssyncset.done $0x0  }
0x7a: {  	s13 =	simm.s32 @!p0 $0xC800;
	s12 =	simm.s32 @!p0 $0x0;
	[sflag:s29] =	ssyncadd.s32 $0xFFFFCE00  }
0x7b: {  	[tilespmem:s13], [sflag:$0x7] =	stream.linear.gather @!p0 [hbm4b:s7+s12], $0x3200, $0x38;
	[tilespmem:$0x15E00] =	vst v63  }
.Ltmp0:
0x7c: {  	_ =	swait.ge @!p0 [sflag:s0], $0x3200;
	(pc) =	sbr.rel @p2 .LBB2_2-.Ltmp0, $4  }
0x7d: {  	s14 =	sadd.s32 $0x40, s14;
	[sflag:s0] =	ssyncset.done @!p0 $0x0  }
0x7e: {  	[sflag:s0] =	ssyncadd.s32 @!p0 $0xFFFFCE00;
	p0 =	slt.u32 s1, s9;
	s0 =	smov.u32 s14  }
0x7f: {  	[spmem:s3] =	stream.indirect.scatter.add.f32 [tilespmem:s19], [sflag:$0x5], $0x1, s21, s23, $0xb8;
	[tilespmem:$0x15E00] =	vst v63  }
0x80: {  	s12 =	simm.s32 @!p1 $0x7;
	s0 =	simm.s32 @!p0 $0x0;
	_ =	swait.ge [sflag:s30], $0x3200  }
0x81: {  	[sflag:s30] =	ssyncset.done $0x0  }
0x82: {  	s10 =	simm.s32 @!p1 $0xFA00;
	s13 =	simm.s32 @!p1 $0x0;
	[sflag:s30] =	ssyncadd.s32 $0xFFFFCE00  }
0x83: {  	[tilespmem:s10], [sflag:$0x7] =	stream.linear.gather @!p1 [hbm4b:s7+s13], $0x3200, $0x38;
	[tilespmem:$0x15E00] =	vst v63  }
0x84: {  	_ =	swait.ge @!p1 [sflag:s12], $0x3200  }
0x85: {  	[sflag:s12] =	ssyncset.done @!p1 $0x0  }
0x86: {  	s0 =	sor.u32 s8, s0;
	[sflag:s12] =	ssyncadd.s32 @!p1 $0xFFFFCE00  }
0x87: {  	[spmem:s3] =	stream.indirect.scatter.add.f32 [tilespmem:s20], [sflag:$0x6], $0x1, s22, s23, $0xb8;
	[tilespmem:$0x15E00] =	vst v63  }
0x88: {  	s1 =	sadd.s32 $0x1, s1;
	s0 =	smul.u32 $0x640, s0;
	_ =	swait.ge [sflag:s24], $0x3200  }
0x89: {  	p1 =	slt.u32 s1, s9;
	s1 =	sadd.s32 $0x20, s14;
	[sflag:s24] =	ssyncset.done $0x0  }
0x8a: {  	s13 =	sadd.s32 s5, s0;
	s1 =	simm.s32 @!p1 $0x0;
	[sflag:s24] =	ssyncadd.s32 $0xFFFFCE00  }
0x8b: {  	[tilespmem:s4], [sflag:$0x1] =	stream.linear.gather [hbm4b:s13+s4], $0x3200, $0x38;
	[tilespmem:$0x15E00] =	vst v63  }
0x8c: {  	s0 =	sadd.s32 s6, s0;
	s1 =	sor.u32 s8, s1  }
0x8d: {  	[tilespmem:s21], [sflag:$0x1] =	stream.linear.gather [hbm4b:s0+s4], $0x3200, $0x38;
	[tilespmem:$0x15E00] =	vst v63  }
0x8e: {  	s14 =	smul.u32 $0x640, s1;
	_ =	swait.ge [sflag:s25], $0x3200  }
0x8f: {  	[sflag:s25] =	ssyncset.done $0x0  }
0x90: {  	s1 =	sadd.s32 s5, s14;
	[sflag:s25] =	ssyncadd.s32 $0xFFFFCE00  }
0x91: {  	[tilespmem:s23], [sflag:$0x2] =	stream.linear.gather [hbm4b:s1+s4], $0x3200, $0x38;
	[tilespmem:$0x15E00] =	vst v63  }
0x92: {  	s0 =	sadd.s32 s6, s14  }
0x93: {  	[tilespmem:s22], [sflag:$0x2] =	stream.linear.gather [hbm4b:s0+s4], $0x3200, $0x38;
	[tilespmem:$0x15E00] =	vst v63  }
0x94: {  	_ =	swait.ge [sflag:s26], $0x3200  }
0x95: {  	[sflag:s26] =	ssyncset.done $0x0  }
0x96: {  	[sflag:s26] =	ssyncadd.s32 $0xFFFFCE00  }
0x97: {  	_ =	swait.ge [sflag:s26], $0x3200  }
0x98: {  	[sflag:s26] =	ssyncset.done $0x0  }
0x99: {  	[sflag:s26] =	ssyncadd.s32 $0xFFFFCE00  }
0x9a: {  	[tilespmem:s19], [sflag:$0x3] =	stream.indirect.gather [spmem:s2], $0x1, s4, s23, $0xb8;
	[tilespmem:$0x15E00] =	vst v63  }
0x9b: {  	_ =	swait.ge [sflag:s28], $0x3200  }
0x9c: {  	[sflag:s28] =	ssyncset.done $0x0  }
0x9d: {  	[sflag:s28] =	ssyncadd.s32 $0xFFFFCE00  }
0x9e: {  	_ =	swait.ge [sflag:s28], $0x3200  }
0x9f: {  	[sflag:s28] =	ssyncset.done $0x0  }
0xa0: {  	[sflag:s28] =	ssyncadd.s32 $0xFFFFCE00  }
0xa1: {  	[tilespmem:s20], [sflag:$0x4] =	stream.indirect.gather [spmem:s2], $0x1, s23, s23, $0xb8;
	[tilespmem:$0x15E00] =	vst v63  }
0xa2: {  	_ =	swait.ge [sflag:s29], $0x3200  }
0xa3: {  	[sflag:s29] =	ssyncset.done $0x0  }
0xa4: {  	s1 =	simm.s32 @!p0 $0xC800;
	s0 =	simm.s32 @!p0 $0x0;
	[sflag:s29] =	ssyncadd.s32 $0xFFFFCE00  }
0xa5: {  	[tilespmem:s1], [sflag:$0x7] =	stream.linear.gather @!p0 [hbm4b:s7+s0], $0x3200, $0x38;
	[tilespmem:$0x15E00] =	vst v63  }
0xa6: {  	s0 =	simm.s32 @!p0 $0x7  }
0xa7: {  	_ =	swait.ge @!p0 [sflag:s0], $0x3200  }
0xa8: {  	[sflag:s0] =	ssyncset.done @!p0 $0x0  }
0xa9: {  	[sflag:s0] =	ssyncadd.s32 @!p0 $0xFFFFCE00  }
0xaa: {  	[spmem:s3] =	stream.indirect.scatter.add.f32 [tilespmem:s19], [sflag:$0x5], $0x1, s21, s23, $0xb8;
	[tilespmem:$0x15E00] =	vst v63  }
0xab: {  	_ =	swait.ge [sflag:s30], $0x3200  }
0xac: {  	[sflag:s30] =	ssyncset.done $0x0  }
0xad: {  	s1 =	simm.s32 @!p1 $0x0;
	s0 =	simm.s32 @!p1 $0xFA00;
	[sflag:s30] =	ssyncadd.s32 $0xFFFFCE00  }
0xae: {  	[tilespmem:s0], [sflag:$0x7] =	stream.linear.gather @!p1 [hbm4b:s7+s1], $0x3200, $0x38;
	[tilespmem:$0x15E00] =	vst v63  }
0xaf: {  	s0 =	simm.s32 @!p1 $0x7  }
0xb0: {  	_ =	swait.ge @!p1 [sflag:s0], $0x3200  }
0xb1: {  	[sflag:s0] =	ssyncset.done @!p1 $0x0  }
0xb2: {  	[sflag:s0] =	ssyncadd.s32 @!p1 $0xFFFFCE00  }
0xb3: {  	[spmem:s3] =	stream.indirect.scatter.add.f32 [tilespmem:s20], [sflag:$0x6], $0x1, s22, s23, $0xb8;
	[tilespmem:$0x15E00] =	vst v63  }
0xb4: {  	_ =	swait.ge [sflag:s24], $0x3200  }
0xb5: {  	[sflag:s24] =	ssyncset.done $0x0  }
0xb6: {  	[sflag:s24] =	ssyncadd.s32 $0xFFFFCE00  }
0xb7: {  	_ =	swait.ge [sflag:s25], $0x3200  }
0xb8: {  	[sflag:s25] =	ssyncset.done $0x0  }
0xb9: {  	[sflag:s25] =	ssyncadd.s32 $0xFFFFCE00  }
0xba: {  	[bflag:$0x0] =	sbarrier.arrive $0xFFFF  }
0xbb: {  	s15 =	rddreg [dreg:$0x8]  }
0xbc: {  	[hbm:s15], [sflag:s11] =	dma.local [spmem:s18], $0x320  }
0xbd: {  	_ =	swait.ge [sflag:s17], $0x320  }
0xbe: {  	s31 =	sadd.s32 $0x1, s31;
	s16 =	rddreg [dreg:$0x7]  }
0xbf: {  	p0 =	sne.s32 s31, s16  }
.Ltmp1:
0xc0: {  	_ = 	snop;
	(pc) =	sbr.rel @p0 .LBB2_1-.Ltmp1, $3  }
0xc1: {  	_ =	sdelay $0x1  }
0xc2: {  	[sflag:s17] =	ssyncset.done $0x0  }
0xc3: {  	[sflag:s17] =	ssyncadd.s32 $0xFFFFFCE0  }
0xc4: {  	_ =	sfence.sel $0x180000  }
0xc5: {  	[bflag:$0x0] =	sbarrier.arrive $0xFFFF  }
0xc6: {  	_ =	strace $0x90000047  }
0xc7: {  	s0 =	stileid.u32;
	[bflag:$0x2] =	sbarrier.arrive $0xFFFF  }
0xc8: {  	p0 =	sne.s32 s0, $0x0;
	s0 =	rddreg [dreg:$0x3]  }
0xc9: {  	s0 =	sadd.s32 @!p0 $0x100000, s0  }
0xca: {  	[sflag:s0] =	ssyncadd.tile.s32 @!p0 $0x1;
	_ =	shalt  }
.Lfunc_end2:
_tile_overlayer_lowered:
.L_overlay_start_2:
0xcb: {  	(tag) =	ssettag $0x2  }
0xcc: {  	s0 =	rddreg [dreg:$0x0];
	s2 =	stileid.u32  }
0xcd: {  	s1 =	rddreg [dreg:$0x1];
	p0 =	sne.s32 s2, $0x0  }
0xce: {  	s3 =	rddreg [dreg:$0x2];
	[bflag:$0x3] =	sbarrier.arrive $0xFFFF;
	s2 =	simm.s32 @!p0 $0x1C07  }
0xcf: {  	[timem:s3], [sflag:s2] =	dma.local @!p0 [hbm:s0], s1  }
0xd0: {  	s0 =	simm.s32 @!p0 $0x7  }
0xd1: {  	_ =	swait.ge @!p0 [sflag:s0], s1  }
0xd2: {  	s1 =	ssub.s32 @!p0 $0x0, s1;
	[sflag:s0] =	ssyncset.done @!p0 $0x0  }
0xd3: {  	[sflag:s0] =	ssyncadd.s32 @!p0 s1  }
0xd4: {  	[bflag:$0x3] =	sbarrier.arrive $0xFFFF  }
0xd5: {  	_ =	shalt  }

</sc_bundles>
